<compile_context>
chip_gen: v7x
topology: tpu7x:2x2x1
jax: 0.10.2.dev20260603
libtpu: 0.0.44.dev20260713+nightly
codegen_flags: <defaults>
</compile_context>

<pallas_src>
import functools

import jax
import jax.numpy as jnp
from jax import lax
from jax.experimental import pallas as pl
from jax.experimental.pallas import tpu as pltpu
from jax.experimental.pallas import tpu_sc as plsc

N = 10000
E = 320000
D = 128
NC = 2
NS = 16
K = 80
RPT = 624
TAIL = N - NS * RPT
EPW_A = E // (NC * NS)
EPT_C = E // NS
CH_A = EPW_A // K
CH_C = EPT_C // K
NB_A = 25
NB_C = 4
NG_C = CH_C // NB_C
NP = 10240
BN = 1024


def _sc_mesh():
    return plsc.VectorSubcoreMesh(core_axis_name="c", subcore_axis_name="s")


def _m8(v):
    return pl.multiple_of(v, 8)


HW = 8


def _deg_body(dst1d, zh, out, hist, dbuf, sums, sem):
    c = lax.axis_index("c")
    s = lax.axis_index("s")
    w = s * NC + c
    cz = pltpu.async_copy(zh, hist, sem)
    ci = pltpu.async_copy(dst1d.at[pl.ds(_m8(w * EPW_A), EPW_A)], dbuf, sem)
    cz.wait()
    ci.wait()

    iota = lax.broadcasted_iota(jnp.int32, (16,), 0)
    col = lax.bitwise_and(iota, HW - 1)
    mlo = iota < HW
    mhi = iota >= HW
    ones16 = jnp.ones((16,), jnp.float32)

    def ed(i, carry):
        idx = dbuf[pl.ds(i * 16, 16)]
        addr = idx * HW + col
        plsc.addupdate_scatter(hist, [addr], ones16, mask=mlo)
        plsc.addupdate_scatter(hist, [addr], ones16, mask=mhi)
        return carry

    lax.fori_loop(0, EPW_A // 16, ed, 0)

    stride = iota * HW

    def cs(i, carry):
        base = i * (16 * HW)
        a = plsc.load_gather(hist, [base + stride])
        for cc in range(1, HW):
            a = a + plsc.load_gather(hist, [base + stride + cc])
        sums[pl.ds(i * 16, 16)] = a
        return carry

    lax.fori_loop(0, N // 16, cs, 0)
    zero16 = jnp.zeros((16,), jnp.float32)
    for t in range(N // 16, NP // 16):
        sums[pl.ds(t * 16, 16)] = zero16
    pltpu.sync_copy(sums, out.at[w])


_deg_kernel = functools.partial(
    pl.kernel,
    out_type=jax.ShapeDtypeStruct((NS * NC, NP), jnp.float32),
    mesh=_sc_mesh(),
    compiler_params=pltpu.CompilerParams(needs_layout_passes=False),
    scratch_types=[
        pltpu.VMEM((N * HW,), jnp.float32),
        pltpu.VMEM((EPW_A,), jnp.int32),
        pltpu.VMEM((NP,), jnp.float32),
        pltpu.SemaphoreType.DMA,
    ],
)(_deg_body)


def _edge_body(hp, src1d, dst1d, out, acc, rows, sidx, didx, semi, semg, sems):
    c = lax.axis_index("c")
    s = lax.axis_index("s")
    off = c * NP
    b0 = _m8(s * RPT)
    pltpu.sync_copy(hp.at[pl.ds(_m8(off + b0), RPT), :],
                    acc.at[pl.ds(b0, RPT), :])

    @pl.when(s == NS - 1)
    def _():
        pltpu.sync_copy(hp.at[pl.ds(_m8(off + NS * RPT), TAIL), :],
                        acc.at[pl.ds(_m8(NS * RPT), TAIL), :])

    plsc.subcore_barrier()

    def chunks(base, nb):
        lsrc = [pltpu.async_copy(
            src1d.at[pl.ds(_m8(c * E + (base + j) * K), K)], sidx.at[j], semi)
            for j in range(nb)]
        ldst = [pltpu.async_copy(
            dst1d.at[pl.ds(_m8((base + j) * K), K)], didx.at[j], semi)
            for j in range(nb)]
        gats = []
        for j in range(nb):
            lsrc[j].wait()
            gats.append(pltpu.async_copy(hp.at[sidx.at[j]], rows.at[j], semg))
        scats = []
        for j in range(nb):
            gats[j].wait()
            ldst[j].wait()
            scats.append(pltpu.async_copy(rows.at[j], acc.at[didx.at[j]],
                                          sems, add=True))
        for cp in scats:
            cp.wait()

    def group(g, carry):
        chunks(s * CH_C + g * NB_C, NB_C)
        return carry

    lax.fori_loop(0, NG_C, group, 0)
    chunks(s * CH_C + NG_C * NB_C, CH_C - NG_C * NB_C)
    plsc.subcore_barrier()
    pltpu.sync_copy(acc.at[pl.ds(b0, RPT), :],
                    out.at[pl.ds(_m8(off + b0), RPT), :])

    @pl.when(s == NS - 1)
    def _():
        pltpu.sync_copy(acc.at[pl.ds(_m8(NS * RPT), TAIL), :],
                        out.at[pl.ds(_m8(off + NS * RPT), TAIL), :])


_edge_kernel = functools.partial(
    pl.kernel,
    out_type=jax.ShapeDtypeStruct((NC * NP, D), jnp.float32),
    mesh=_sc_mesh(),
    scratch_types=[
        pltpu.VMEM_SHARED((N, D), jnp.float32),
        pltpu.VMEM((NB_C, K, D), jnp.float32),
        pltpu.VMEM((NB_C, K), jnp.int32),
        pltpu.VMEM((NB_C, K), jnp.int32),
        pltpu.SemaphoreType.DMA,
        pltpu.SemaphoreType.DMA,
        pltpu.SemaphoreType.DMA,
    ],
)(_edge_body)


def _dinv_blk(degs_ref):
    ones_w = jnp.ones((NS * NC, 1), jnp.float32)
    deg = lax.dot_general(degs_ref[...], ones_w, (((0,), (0,)), ((), ())),
                          preferred_element_type=jnp.float32) + 1.0
    return lax.rsqrt(deg)


def _dense_body(x_ref, wlp_ref, whp_ref, wi_ref, blp_ref, bhp_ref, bi_ref,
                degs_ref, hp_ref, hhp_ref, hi_ref):
    dinv = _dinv_blk(degs_ref)
    x = x_ref[...]
    hlp = jnp.dot(x, wlp_ref[...], preferred_element_type=jnp.float32) + blp_ref[...]
    hhp = jnp.dot(x, whp_ref[...], preferred_element_type=jnp.float32) + bhp_ref[...]
    hi = jnp.dot(x, wi_ref[...], preferred_element_type=jnp.float32) + bi_ref[...]
    hp_ref[0, :, :] = dinv * hlp
    hp_ref[1, :, :] = dinv * hhp
    hhp_ref[...] = hhp
    hi_ref[...] = jnp.maximum(hi, 0.0)


def _dense_stage(x, wlp, whp, wi, blp, bhp, bi, degs):
    full = pl.BlockSpec((D, D), lambda i: (0, 0))
    bias = pl.BlockSpec((1, D), lambda i: (0, 0))
    row = pl.BlockSpec((BN, D), lambda i: (i, 0))
    return pl.pallas_call(
        _dense_body,
        grid=(NP // BN,),
        in_specs=[row, full, full, full, bias, bias, bias,
                  pl.BlockSpec((NS * NC, BN), lambda i: (0, i))],
        out_specs=[pl.BlockSpec((NC, BN, D), lambda i: (0, i, 0)), row, row],
        out_shape=[
            jax.ShapeDtypeStruct((NC, NP, D), jnp.float32),
            jax.ShapeDtypeStruct((NP, D), jnp.float32),
            jax.ShapeDtypeStruct((NP, D), jnp.float32),
        ],
    )(x, wlp, whp, wi, blp, bhp, bi, degs)


def _epi_body(s_ref, hhp_ref, hi_ref, degs_ref, gw_ref, gb_ref, o_ref):
    dinv = _dinv_blk(degs_ref)
    s = s_ref[...]
    h_lp = jnp.maximum(dinv * s[0], 0.0)
    h_hp = jnp.maximum(hhp_ref[...] - dinv * s[1], 0.0)
    h_i = hi_ref[...]
    gw = gw_ref[...]
    gb = gb_ref[...]

    def gate(h, k):
        z = jnp.sum(h * gw[k:k + 1, :], axis=1, keepdims=True) + gb[k:k + 1, 0:1]
        return 1.0 / (1.0 + jnp.exp(-z))

    out = gate(h_hp, 0) * h_hp + gate(h_lp, 1) * h_lp + gate(h_i, 2) * h_i
    m = jnp.max(out, axis=1, keepdims=True)
    lse = jnp.log(jnp.sum(jnp.exp(out - m), axis=1, keepdims=True)) + m
    o_ref[...] = out - lse


def _epi_stage(s3, hhp, hi, degs, gw, gb):
    row = pl.BlockSpec((BN, D), lambda i: (i, 0))
    return pl.pallas_call(
        _epi_body,
        grid=(NP // BN,),
        in_specs=[pl.BlockSpec((NC, BN, D), lambda i: (0, i, 0)), row, row,
                  pl.BlockSpec((NS * NC, BN), lambda i: (0, i)),
                  pl.BlockSpec((3, D), lambda i: (0, 0)),
                  pl.BlockSpec((3, D), lambda i: (0, 0))],
        out_specs=row,
        out_shape=jax.ShapeDtypeStruct((NP, D), jnp.float32),
    )(s3, hhp, hi, degs, gw, gb)


def kernel(x, edge_index, W_hp, b_hp, W_lp, b_lp, W_i, b_i, wh, bh, wl, bl, wi, bi):
    src = edge_index[0].astype(jnp.int32)
    dst = edge_index[1].astype(jnp.int32)
    zh = jnp.zeros((N * HW,), jnp.float32)
    xp = jnp.pad(x, ((0, NP - N), (0, 0)))

    degs = _deg_kernel(dst, zh)
    hp, hhp, hi = _dense_stage(
        xp, W_lp, W_hp, W_i,
        b_lp.reshape(1, D), b_hp.reshape(1, D), b_i.reshape(1, D), degs)

    src2 = jnp.concatenate([src, src + NP])
    s2 = _edge_kernel(hp.reshape(NC * NP, D), src2, dst)

    gw = jnp.concatenate([wh, wl, wi], axis=1).T
    gb = jnp.broadcast_to(jnp.concatenate([bh, bl, bi])[:, None], (3, D))
    return _epi_stage(s2.reshape(NC, NP, D), hhp, hi, degs, gw, gb)[:N]

# --- scband reference (transcript-rebuilt; emitter-appended) ---
"""Pipeline reference for scband-acm-gnn-52012053954566 (READ-ONLY COPY).

The authoritative reference and input builder live on the scoring server;
editing this copy changes nothing except your own understanding.
"""

import jax, jax.numpy as jnp
import numpy as np

N_NODES = 10000
N_EDGES = 320000
D = 128


def setup_inputs(seed: int = 0) -> dict:
    key = jax.random.key(seed)
    ks = jax.random.split(key, 16)
    x = jax.random.normal(ks[0], (N_NODES, D), dtype=jnp.float32)
    edge_index = jax.random.randint(ks[1], (2, N_EDGES), 0, N_NODES, dtype=jnp.int64)
    s = 1.0 / np.sqrt(D)
    W_hp = jax.random.uniform(ks[2], (D, D), jnp.float32, -s, s)
    b_hp = jax.random.uniform(ks[3], (D,), jnp.float32, -s, s)
    W_lp = jax.random.uniform(ks[4], (D, D), jnp.float32, -s, s)
    b_lp = jax.random.uniform(ks[5], (D,), jnp.float32, -s, s)
    W_i = jax.random.uniform(ks[6], (D, D), jnp.float32, -s, s)
    b_i = jax.random.uniform(ks[7], (D,), jnp.float32, -s, s)
    wh = jax.random.uniform(ks[8], (D, 1), jnp.float32, -s, s)
    bh = jax.random.uniform(ks[9], (1,), jnp.float32, -s, s)
    wl = jax.random.uniform(ks[10], (D, 1), jnp.float32, -s, s)
    bl = jax.random.uniform(ks[11], (1,), jnp.float32, -s, s)
    wi = jax.random.uniform(ks[12], (D, 1), jnp.float32, -s, s)
    bi = jax.random.uniform(ks[13], (1,), jnp.float32, -s, s)
    return {"x": x, "edge_index": edge_index, "W_hp": W_hp, "b_hp": b_hp, "W_lp": W_lp, "b_lp": b_lp, "W_i": W_i, "b_i": b_i, "wh": wh, "bh": bh, "wl": wl, "bl": bl, "wi": wi, "bi": bi}


def reference(x, edge_index, W_hp, b_hp, W_lp, b_lp, W_i, b_i, wh, bh, wl, bl, wi, bi):
    n = x.shape[0]
    src = edge_index[0]
    dst = edge_index[1]
    loop = jnp.arange(n, dtype=src.dtype)
    src2 = jnp.concatenate([src, loop])
    dst2 = jnp.concatenate([dst, loop])
    # symmetric GCN normalization with self-loops: A_hat = D^{-1/2}(A+I)D^{-1/2}
    deg = jax.ops.segment_sum(jnp.ones(src2.shape[0], dtype=x.dtype), dst2, num_segments=n)
    dinv = jnp.where(deg > 0, 1.0 / jnp.sqrt(deg), 0.0)
    norm = dinv[src2] * dinv[dst2]

    def prop(h):
        return jax.ops.segment_sum(h[src2] * norm[:, None], dst2, num_segments=n)

    # dropout disabled (eval mode)
    h_lp = x @ W_lp + b_lp
    H_lp = jax.nn.relu(prop(h_lp))          # LP filter: A_hat X W
    h_hp = x @ W_hp + b_hp
    H_hp = jax.nn.relu(h_hp - prop(h_hp))   # HP filter: (I - A_hat) X W
    H_i = jax.nn.relu(x @ W_i + b_i)        # I filter: X W

    a_h = jax.nn.sigmoid(H_hp @ wh + bh)[:, 0]
    a_l = jax.nn.sigmoid(H_lp @ wl + bl)[:, 0]
    a_i = jax.nn.sigmoid(H_i @ wi + bi)[:, 0]

    out = a_h[:, None] * H_hp + a_l[:, None] * H_lp + a_i[:, None] * H_i
    return jax.nn.log_softmax(out, axis=1)

if __name__ == "__main__":
    import jax
    _d = setup_inputs()
    print(jax.jit(kernel)(*tuple(_d.values())))

</pallas_src>

<mosaic_0001>
#map = affine_map<(d0, d1) -> (0)>
#map1 = affine_map<(d0, d1) -> (0, 0)>
module attributes {stable_mosaic.version = 14 : i64} {
  func.func @_deg_body(%arg0: i32, %arg1: i32, %arg2: memref<320000xi32, #tpu.memory_space<hbm>>, %arg3: memref<80000xf32, #tpu.memory_space<hbm>>, %arg4: memref<32x10240xf32, #tpu.memory_space<hbm>>, %arg5: memref<80000xf32, #tpu.memory_space<vmem>>, %arg6: memref<10000xi32, #tpu.memory_space<vmem>>, %arg7: memref<10240xf32, #tpu.memory_space<vmem>>, %arg8: memref<!tpu.dma_semaphore, #tpu.memory_space<semaphore_mem>>) attributes {dimension_semantics = [#tpu.dimension_semantics<core_parallel>, #tpu.dimension_semantics<subcore_parallel>], iteration_bounds = array<i64: 2, 16>, scalar_prefetch = 0 : i64, scratch_operands = 4 : i64, tpu.core_type = #tpu.core_type<sc_vector_subcore>, window_params = [{transform_indices = #map}, {transform_indices = #map}, {transform_indices = #map1}]} {
    %mul3A = arith.constant 2 : i32
    %mul3A_0 = arith.muli %arg1, %mul3A : i32
    %add3A = arith.addi %mul3A_0, %arg0 : i32
    tpu.enqueue_dma source(%arg3 : memref<80000xf32, #tpu.memory_space<hbm>>) target(%arg5 : memref<80000xf32, #tpu.memory_space<vmem>>) target_semaphore(%arg8 : memref<!tpu.dma_semaphore, #tpu.memory_space<semaphore_mem>>)
    %mul3A_1 = arith.constant 10000 : i32
    %mul3A_2 = arith.muli %add3A, %mul3A_1 : i32
    %multiple_of3A = tpu.assume_multiple %mul3A_2, 8 : i32
    %dma_start3A = tpu.memref_slice %arg2[%multiple_of3A] : memref<320000xi32, #tpu.memory_space<hbm>> -> memref<10000xi32, #tpu.memory_space<hbm>>
    %dma_start3A_3 = tpu.memref_slice %arg2[%multiple_of3A] : memref<320000xi32, #tpu.memory_space<hbm>> -> memref<10000xi32, #tpu.memory_space<hbm>>
    tpu.enqueue_dma source(%dma_start3A_3 : memref<10000xi32, #tpu.memory_space<hbm>>) target(%arg6 : memref<10000xi32, #tpu.memory_space<vmem>>) target_semaphore(%arg8 : memref<!tpu.dma_semaphore, #tpu.memory_space<semaphore_mem>>)
    tpu.wait_dma2 semaphore(%arg8 : memref<!tpu.dma_semaphore, #tpu.memory_space<semaphore_mem>>) src(%arg3 : memref<80000xf32, #tpu.memory_space<hbm>>) dst(%arg5 : memref<80000xf32, #tpu.memory_space<vmem>>)
    %dma_wait3A = tpu.memref_slice %arg2[%multiple_of3A] : memref<320000xi32, #tpu.memory_space<hbm>> -> memref<10000xi32, #tpu.memory_space<hbm>>
    %dma_wait3A_4 = tpu.memref_slice %arg2[%multiple_of3A] : memref<320000xi32, #tpu.memory_space<hbm>> -> memref<10000xi32, #tpu.memory_space<hbm>>
    tpu.wait_dma2 semaphore(%arg8 : memref<!tpu.dma_semaphore, #tpu.memory_space<semaphore_mem>>) src(%dma_wait3A_4 : memref<10000xi32, #tpu.memory_space<hbm>>) dst(%arg6 : memref<10000xi32, #tpu.memory_space<vmem>>)
    %iota3A = tpu.iota {dimensions = array<i32: 0>} : vector<16xi32>
    %and3A = arith.constant 7 : i32
    %and3A_5 = vector.broadcast %and3A : i32 to vector<16xi32>
    %and3A_6 = arith.andi %iota3A, %and3A_5 : vector<16xi32>
    %lt3A = arith.constant 8 : i32
    %lt3A_7 = vector.broadcast %lt3A : i32 to vector<16xi32>
    %lt3A_8 = arith.cmpi slt, %iota3A, %lt3A_7 : vector<16xi32>
    %ge3A = arith.constant 8 : i32
    %ge3A_9 = vector.broadcast %ge3A : i32 to vector<16xi32>
    %ge3A_10 = arith.cmpi sge, %iota3A, %ge3A_9 : vector<16xi32>
    %broadcast_in_dim3A = arith.constant 1.000000e+00 : f32
    %broadcast_in_dim3A_11 = vector.broadcast %broadcast_in_dim3A : f32 to vector<16xf32>
    %scan3A = arith.constant 0 : i32
    %scan3A_12 = arith.constant 0 : i32
    %scan3A_13 = arith.constant 625 : i32
    %scan3A_14 = arith.addi %scan3A_12, %scan3A_13 : i32
    %scan3A_15 = arith.constant 1 : i32
    scf.for %scan3A_57 = %scan3A_12 to %scan3A_14 step %scan3A_15  : i32 {
      %mul3A_58 = arith.constant 16 : i32
      %mul3A_59 = arith.muli %scan3A_57, %mul3A_58 : i32
      %get3A = arith.index_cast %mul3A_59 : i32 to index
      %get3A_60 = tpu.vector_load %arg6[%get3A] {strides = array<i32>} : memref<10000xi32, #tpu.memory_space<vmem>>, vector<16xi32>,
      %mul3A_61 = arith.constant 8 : i32
      %mul3A_62 = vector.broadcast %mul3A_61 : i32 to vector<16xi32>
      %mul3A_63 = arith.muli %get3A_60, %mul3A_62 : vector<16xi32>
      %add3A_64 = arith.addi %mul3A_63, %and3A_6 : vector<16xi32>
      tpu.vector_store_idx %arg5[%add3A_64], %broadcast_in_dim3A_11 masked %lt3A_8 {add = true} : memref<80000xf32, #tpu.memory_space<vmem>>[vector<16xi32>], vector<16xf32>, vector<16xi1>
      tpu.vector_store_idx %arg5[%add3A_64], %broadcast_in_dim3A_11 masked %ge3A_10 {add = true} : memref<80000xf32, #tpu.memory_space<vmem>>[vector<16xi32>], vector<16xf32>, vector<16xi1>
    }
    %scan3A_16 = arith.constant 625 : i32
    %mul3A_17 = arith.constant 8 : i32
    %mul3A_18 = vector.broadcast %mul3A_17 : i32 to vector<16xi32>
    %mul3A_19 = arith.muli %iota3A, %mul3A_18 : vector<16xi32>
    %scan3A_20 = arith.constant 0 : i32
    %scan3A_21 = arith.constant 0 : i32
    %scan3A_22 = arith.constant 625 : i32
    %scan3A_23 = arith.addi %scan3A_21, %scan3A_22 : i32
    %scan3A_24 = arith.constant 1 : i32
    scf.for %scan3A_57 = %scan3A_21 to %scan3A_23 step %scan3A_24  : i32 {
      %mul3A_58 = arith.constant 128 : i32
      %mul3A_59 = arith.muli %scan3A_57, %mul3A_58 : i32
      %add3A_60 = vector.broadcast %mul3A_59 : i32 to vector<16xi32>
      %add3A_61 = arith.addi %add3A_60, %mul3A_19 : vector<16xi32>
      %gather3A = tpu.vector_load_idx %arg5[%add3A_61] : memref<80000xf32, #tpu.memory_space<vmem>>[vector<16xi32>], vector<16xf32>,
      %add3A_62 = vector.broadcast %mul3A_59 : i32 to vector<16xi32>
      %add3A_63 = arith.addi %add3A_62, %mul3A_19 : vector<16xi32>
      %add3A_64 = arith.constant 1 : i32
      %add3A_65 = vector.broadcast %add3A_64 : i32 to vector<16xi32>
      %add3A_66 = arith.addi %add3A_63, %add3A_65 : vector<16xi32>
      %gather3A_67 = tpu.vector_load_idx %arg5[%add3A_66] : memref<80000xf32, #tpu.memory_space<vmem>>[vector<16xi32>], vector<16xf32>,
      %add3A_68 = arith.addf %gather3A, %gather3A_67 : vector<16xf32>
      %add3A_69 = vector.broadcast %mul3A_59 : i32 to vector<16xi32>
      %add3A_70 = arith.addi %add3A_69, %mul3A_19 : vector<16xi32>
      %add3A_71 = arith.constant 2 : i32
      %add3A_72 = vector.broadcast %add3A_71 : i32 to vector<16xi32>
      %add3A_73 = arith.addi %add3A_70, %add3A_72 : vector<16xi32>
      %gather3A_74 = tpu.vector_load_idx %arg5[%add3A_73] : memref<80000xf32, #tpu.memory_space<vmem>>[vector<16xi32>], vector<16xf32>,
      %add3A_75 = arith.addf %add3A_68, %gather3A_74 : vector<16xf32>
      %add3A_76 = vector.broadcast %mul3A_59 : i32 to vector<16xi32>
      %add3A_77 = arith.addi %add3A_76, %mul3A_19 : vector<16xi32>
      %add3A_78 = arith.constant 3 : i32
      %add3A_79 = vector.broadcast %add3A_78 : i32 to vector<16xi32>
      %add3A_80 = arith.addi %add3A_77, %add3A_79 : vector<16xi32>
      %gather3A_81 = tpu.vector_load_idx %arg5[%add3A_80] : memref<80000xf32, #tpu.memory_space<vmem>>[vector<16xi32>], vector<16xf32>,
      %add3A_82 = arith.addf %add3A_75, %gather3A_81 : vector<16xf32>
      %add3A_83 = vector.broadcast %mul3A_59 : i32 to vector<16xi32>
      %add3A_84 = arith.addi %add3A_83, %mul3A_19 : vector<16xi32>
      %add3A_85 = arith.constant 4 : i32
      %add3A_86 = vector.broadcast %add3A_85 : i32 to vector<16xi32>
      %add3A_87 = arith.addi %add3A_84, %add3A_86 : vector<16xi32>
      %gather3A_88 = tpu.vector_load_idx %arg5[%add3A_87] : memref<80000xf32, #tpu.memory_space<vmem>>[vector<16xi32>], vector<16xf32>,
      %add3A_89 = arith.addf %add3A_82, %gather3A_88 : vector<16xf32>
      %add3A_90 = vector.broadcast %mul3A_59 : i32 to vector<16xi32>
      %add3A_91 = arith.addi %add3A_90, %mul3A_19 : vector<16xi32>
      %add3A_92 = arith.constant 5 : i32
      %add3A_93 = vector.broadcast %add3A_92 : i32 to vector<16xi32>
      %add3A_94 = arith.addi %add3A_91, %add3A_93 : vector<16xi32>
      %gather3A_95 = tpu.vector_load_idx %arg5[%add3A_94] : memref<80000xf32, #tpu.memory_space<vmem>>[vector<16xi32>], vector<16xf32>,
      %add3A_96 = arith.addf %add3A_89, %gather3A_95 : vector<16xf32>
      %add3A_97 = vector.broadcast %mul3A_59 : i32 to vector<16xi32>
      %add3A_98 = arith.addi %add3A_97, %mul3A_19 : vector<16xi32>
      %add3A_99 = arith.constant 6 : i32
      %add3A_100 = vector.broadcast %add3A_99 : i32 to vector<16xi32>
      %add3A_101 = arith.addi %add3A_98, %add3A_100 : vector<16xi32>
      %gather3A_102 = tpu.vector_load_idx %arg5[%add3A_101] : memref<80000xf32, #tpu.memory_space<vmem>>[vector<16xi32>], vector<16xf32>,
      %add3A_103 = arith.addf %add3A_96, %gather3A_102 : vector<16xf32>
      %add3A_104 = vector.broadcast %mul3A_59 : i32 to vector<16xi32>
      %add3A_105 = arith.addi %add3A_104, %mul3A_19 : vector<16xi32>
      %add3A_106 = arith.constant 7 : i32
      %add3A_107 = vector.broadcast %add3A_106 : i32 to vector<16xi32>
      %add3A_108 = arith.addi %add3A_105, %add3A_107 : vector<16xi32>
      %gather3A_109 = tpu.vector_load_idx %arg5[%add3A_108] : memref<80000xf32, #tpu.memory_space<vmem>>[vector<16xi32>], vector<16xf32>,
      %add3A_110 = arith.addf %add3A_103, %gather3A_109 : vector<16xf32>
      %mul3A_111 = arith.constant 16 : i32
      %mul3A_112 = arith.muli %scan3A_57, %mul3A_111 : i32
      %swap3A_113 = arith.index_cast %mul3A_112 : i32 to index
      %swap3A_114 = tpu.vector_load %arg7[%swap3A_113] {strides = array<i32>} : memref<10240xf32, #tpu.memory_space<vmem>>, vector<16xf32>,
      tpu.vector_store %arg7[%swap3A_113], %add3A_110 {strides = array<i32>} : memref<10240xf32, #tpu.memory_space<vmem>>, vector<16xf32>,
    }
    %scan3A_25 = arith.constant 625 : i32
    %broadcast_in_dim3A_26 = arith.constant 0.000000e+00 : f32
    %broadcast_in_dim3A_27 = vector.broadcast %broadcast_in_dim3A_26 : f32 to vector<16xf32>
    %swap3A = arith.constant 10000 : index
    %swap3A_28 = tpu.vector_load %arg7[%swap3A] {strides = array<i32>} : memref<10240xf32, #tpu.memory_space<vmem>>, vector<16xf32>,
    tpu.vector_store %arg7[%swap3A], %broadcast_in_dim3A_27 {strides = array<i32>} : memref<10240xf32, #tpu.memory_space<vmem>>, vector<16xf32>,
    %swap3A_29 = arith.constant 10016 : index
    %swap3A_30 = tpu.vector_load %arg7[%swap3A_29] {strides = array<i32>} : memref<10240xf32, #tpu.memory_space<vmem>>, vector<16xf32>,
    tpu.vector_store %arg7[%swap3A_29], %broadcast_in_dim3A_27 {strides = array<i32>} : memref<10240xf32, #tpu.memory_space<vmem>>, vector<16xf32>,
    %swap3A_31 = arith.constant 10032 : index
    %swap3A_32 = tpu.vector_load %arg7[%swap3A_31] {strides = array<i32>} : memref<10240xf32, #tpu.memory_space<vmem>>, vector<16xf32>,
    tpu.vector_store %arg7[%swap3A_31], %broadcast_in_dim3A_27 {strides = array<i32>} : memref<10240xf32, #tpu.memory_space<vmem>>, vector<16xf32>,
    %swap3A_33 = arith.constant 10048 : index
    %swap3A_34 = tpu.vector_load %arg7[%swap3A_33] {strides = array<i32>} : memref<10240xf32, #tpu.memory_space<vmem>>, vector<16xf32>,
    tpu.vector_store %arg7[%swap3A_33], %broadcast_in_dim3A_27 {strides = array<i32>} : memref<10240xf32, #tpu.memory_space<vmem>>, vector<16xf32>,
    %swap3A_35 = arith.constant 10064 : index
    %swap3A_36 = tpu.vector_load %arg7[%swap3A_35] {strides = array<i32>} : memref<10240xf32, #tpu.memory_space<vmem>>, vector<16xf32>,
    tpu.vector_store %arg7[%swap3A_35], %broadcast_in_dim3A_27 {strides = array<i32>} : memref<10240xf32, #tpu.memory_space<vmem>>, vector<16xf32>,
    %swap3A_37 = arith.constant 10080 : index
    %swap3A_38 = tpu.vector_load %arg7[%swap3A_37] {strides = array<i32>} : memref<10240xf32, #tpu.memory_space<vmem>>, vector<16xf32>,
    tpu.vector_store %arg7[%swap3A_37], %broadcast_in_dim3A_27 {strides = array<i32>} : memref<10240xf32, #tpu.memory_space<vmem>>, vector<16xf32>,
    %swap3A_39 = arith.constant 10096 : index
    %swap3A_40 = tpu.vector_load %arg7[%swap3A_39] {strides = array<i32>} : memref<10240xf32, #tpu.memory_space<vmem>>, vector<16xf32>,
    tpu.vector_store %arg7[%swap3A_39], %broadcast_in_dim3A_27 {strides = array<i32>} : memref<10240xf32, #tpu.memory_space<vmem>>, vector<16xf32>,
    %swap3A_41 = arith.constant 10112 : index
    %swap3A_42 = tpu.vector_load %arg7[%swap3A_41] {strides = array<i32>} : memref<10240xf32, #tpu.memory_space<vmem>>, vector<16xf32>,
    tpu.vector_store %arg7[%swap3A_41], %broadcast_in_dim3A_27 {strides = array<i32>} : memref<10240xf32, #tpu.memory_space<vmem>>, vector<16xf32>,
    %swap3A_43 = arith.constant 10128 : index
    %swap3A_44 = tpu.vector_load %arg7[%swap3A_43] {strides = array<i32>} : memref<10240xf32, #tpu.memory_space<vmem>>, vector<16xf32>,
    tpu.vector_store %arg7[%swap3A_43], %broadcast_in_dim3A_27 {strides = array<i32>} : memref<10240xf32, #tpu.memory_space<vmem>>, vector<16xf32>,
    %swap3A_45 = arith.constant 10144 : index
    %swap3A_46 = tpu.vector_load %arg7[%swap3A_45] {strides = array<i32>} : memref<10240xf32, #tpu.memory_space<vmem>>, vector<16xf32>,
    tpu.vector_store %arg7[%swap3A_45], %broadcast_in_dim3A_27 {strides = array<i32>} : memref<10240xf32, #tpu.memory_space<vmem>>, vector<16xf32>,
    %swap3A_47 = arith.constant 10160 : index
    %swap3A_48 = tpu.vector_load %arg7[%swap3A_47] {strides = array<i32>} : memref<10240xf32, #tpu.memory_space<vmem>>, vector<16xf32>,
    tpu.vector_store %arg7[%swap3A_47], %broadcast_in_dim3A_27 {strides = array<i32>} : memref<10240xf32, #tpu.memory_space<vmem>>, vector<16xf32>,
    %swap3A_49 = arith.constant 10176 : index
    %swap3A_50 = tpu.vector_load %arg7[%swap3A_49] {strides = array<i32>} : memref<10240xf32, #tpu.memory_space<vmem>>, vector<16xf32>,
    tpu.vector_store %arg7[%swap3A_49], %broadcast_in_dim3A_27 {strides = array<i32>} : memref<10240xf32, #tpu.memory_space<vmem>>, vector<16xf32>,
    %swap3A_51 = arith.constant 10192 : index
    %swap3A_52 = tpu.vector_load %arg7[%swap3A_51] {strides = array<i32>} : memref<10240xf32, #tpu.memory_space<vmem>>, vector<16xf32>,
    tpu.vector_store %arg7[%swap3A_51], %broadcast_in_dim3A_27 {strides = array<i32>} : memref<10240xf32, #tpu.memory_space<vmem>>, vector<16xf32>,
    %swap3A_53 = arith.constant 10208 : index
    %swap3A_54 = tpu.vector_load %arg7[%swap3A_53] {strides = array<i32>} : memref<10240xf32, #tpu.memory_space<vmem>>, vector<16xf32>,
    tpu.vector_store %arg7[%swap3A_53], %broadcast_in_dim3A_27 {strides = array<i32>} : memref<10240xf32, #tpu.memory_space<vmem>>, vector<16xf32>,
    %swap3A_55 = arith.constant 10224 : index
    %swap3A_56 = tpu.vector_load %arg7[%swap3A_55] {strides = array<i32>} : memref<10240xf32, #tpu.memory_space<vmem>>, vector<16xf32>,
    tpu.vector_store %arg7[%swap3A_55], %broadcast_in_dim3A_27 {strides = array<i32>} : memref<10240xf32, #tpu.memory_space<vmem>>, vector<16xf32>,
    "tpu.region"() ({
      %run_scoped3A = tpu.sem_alloc : memref<!tpu.dma_semaphore, #tpu.memory_space<semaphore_mem>>
      %dma_start3A_57 = arith.constant 0 : i32
      %dma_start3A_58 = tpu.memref_slice %arg4[%add3A, %dma_start3A_57] : memref<32x10240xf32, #tpu.memory_space<hbm>> -> memref<1x10240xf32, #tpu.memory_space<hbm>>
      %dma_start3A_59 = tpu.memref_squeeze %dma_start3A_58 : memref<1x10240xf32, #tpu.memory_space<hbm>> -> memref<10240xf32, #tpu.memory_space<hbm>>
      %dma_start3A_60 = arith.constant 0 : i32
      %dma_start3A_61 = tpu.memref_slice %arg4[%add3A, %dma_start3A_60] : memref<32x10240xf32, #tpu.memory_space<hbm>> -> memref<1x10240xf32, #tpu.memory_space<hbm>>
      %dma_start3A_62 = tpu.memref_squeeze %dma_start3A_61 : memref<1x10240xf32, #tpu.memory_space<hbm>> -> memref<10240xf32, #tpu.memory_space<hbm>>
      tpu.enqueue_dma source(%arg7 : memref<10240xf32, #tpu.memory_space<vmem>>) target(%dma_start3A_62 : memref<10240xf32, #tpu.memory_space<hbm>>) target_semaphore(%run_scoped3A : memref<!tpu.dma_semaphore, #tpu.memory_space<semaphore_mem>>)
      %dma_wait3A_63 = arith.constant 0 : i32
      %dma_wait3A_64 = tpu.memref_slice %arg4[%add3A, %dma_wait3A_63] : memref<32x10240xf32, #tpu.memory_space<hbm>> -> memref<1x10240xf32, #tpu.memory_space<hbm>>
      %dma_wait3A_65 = tpu.memref_squeeze %dma_wait3A_64 : memref<1x10240xf32, #tpu.memory_space<hbm>> -> memref<10240xf32, #tpu.memory_space<hbm>>
      %dma_wait3A_66 = arith.constant 0 : i32
      %dma_wait3A_67 = tpu.memref_slice %arg4[%add3A, %dma_wait3A_66] : memref<32x10240xf32, #tpu.memory_space<hbm>> -> memref<1x10240xf32, #tpu.memory_space<hbm>>
      %dma_wait3A_68 = tpu.memref_squeeze %dma_wait3A_67 : memref<1x10240xf32, #tpu.memory_space<hbm>> -> memref<10240xf32, #tpu.memory_space<hbm>>
      tpu.wait_dma2 semaphore(%run_scoped3A : memref<!tpu.dma_semaphore, #tpu.memory_space<semaphore_mem>>) src(%arg7 : memref<10240xf32, #tpu.memory_space<vmem>>) dst(%dma_wait3A_68 : memref<10240xf32, #tpu.memory_space<hbm>>)
      tpu.yield
    }) : () -> ()
    return
  }
}

#map = affine_map<(d0, d1) -> (0, 0)>
#map1 = affine_map<(d0, d1) -> (0)>
module attributes {stable_mosaic.version = 14 : i64} {
  func.func @_edge_body(%arg0: i32, %arg1: i32, %arg2: memref<20480x128xf32, #tpu.memory_space<hbm>>, %arg3: memref<640000xi32, #tpu.memory_space<hbm>>, %arg4: memref<320000xi32, #tpu.memory_space<hbm>>, %arg5: memref<20480x128xf32, #tpu.memory_space<hbm>>, %arg6: memref<10000x128xf32, #tpu.memory_space<vmem_shared>>, %arg7: memref<4x80x128xf32, #tpu.memory_space<vmem>>, %arg8: memref<4x80xi32, #tpu.memory_space<vmem>>, %arg9: memref<4x80xi32, #tpu.memory_space<vmem>>, %arg10: memref<!tpu.dma_semaphore, #tpu.memory_space<semaphore_mem>>, %arg11: memref<!tpu.dma_semaphore, #tpu.memory_space<semaphore_mem>>, %arg12: memref<!tpu.dma_semaphore, #tpu.memory_space<semaphore_mem>>) attributes {dimension_semantics = [#tpu.dimension_semantics<core_parallel>, #tpu.dimension_semantics<subcore_parallel>], iteration_bounds = array<i64: 2, 16>, scalar_prefetch = 0 : i64, scratch_operands = 7 : i64, tpu.core_type = #tpu.core_type<sc_vector_subcore>, window_params = [{transform_indices = #map}, {transform_indices = #map1}, {transform_indices = #map1}, {transform_indices = #map}]} {
    %mul3A = arith.constant 10240 : i32
    %mul3A_0 = arith.muli %arg0, %mul3A : i32
    %mul3A_1 = arith.constant 624 : i32
    %mul3A_2 = arith.muli %arg1, %mul3A_1 : i32
    %multiple_of3A = tpu.assume_multiple %mul3A_2, 8 : i32
    %add3A = arith.addi %mul3A_0, %multiple_of3A : i32
    %multiple_of3A_3 = tpu.assume_multiple %add3A, 8 : i32
    "tpu.region"() ({
      %run_scoped3A = tpu.sem_alloc : memref<!tpu.dma_semaphore, #tpu.memory_space<semaphore_mem>>
      %dma_start3A_215 = arith.constant 0 : i32
      %dma_start3A_216 = tpu.memref_slice %arg6[%multiple_of3A, %dma_start3A_215] : memref<10000x128xf32, #tpu.memory_space<vmem_shared>> -> memref<624x128xf32, #tpu.memory_space<vmem_shared>>
      %dma_start3A_217 = arith.constant 0 : i32
      %dma_start3A_218 = tpu.memref_slice %arg2[%multiple_of3A_3, %dma_start3A_217] : memref<20480x128xf32, #tpu.memory_space<hbm>> -> memref<624x128xf32, #tpu.memory_space<hbm>>
      tpu.enqueue_dma source(%dma_start3A_218 : memref<624x128xf32, #tpu.memory_space<hbm>>) target(%dma_start3A_216 : memref<624x128xf32, #tpu.memory_space<vmem_shared>>) target_semaphore(%run_scoped3A : memref<!tpu.dma_semaphore, #tpu.memory_space<semaphore_mem>>)
      %dma_wait3A_219 = arith.constant 0 : i32
      %dma_wait3A_220 = tpu.memref_slice %arg6[%multiple_of3A, %dma_wait3A_219] : memref<10000x128xf32, #tpu.memory_space<vmem_shared>> -> memref<624x128xf32, #tpu.memory_space<vmem_shared>>
      %dma_wait3A_221 = arith.constant 0 : i32
      %dma_wait3A_222 = tpu.memref_slice %arg2[%multiple_of3A_3, %dma_wait3A_221] : memref<20480x128xf32, #tpu.memory_space<hbm>> -> memref<624x128xf32, #tpu.memory_space<hbm>>
      tpu.wait_dma2 semaphore(%run_scoped3A : memref<!tpu.dma_semaphore, #tpu.memory_space<semaphore_mem>>) src(%dma_wait3A_222 : memref<624x128xf32, #tpu.memory_space<hbm>>) dst(%dma_wait3A_220 : memref<624x128xf32, #tpu.memory_space<vmem_shared>>)
      tpu.yield
    }) : () -> ()
    %eq3A = arith.constant 15 : i32
    %eq3A_4 = arith.cmpi eq, %arg1, %eq3A : i32
    %convert_element_type3A = arith.extui %eq3A_4 : i1 to i32
    %cond3A = arith.constant 0 : i32
    %cond3A_5 = arith.cmpi ne, %convert_element_type3A, %cond3A : i32
    scf.if %cond3A_5 {
      %add3A_215 = arith.constant 9984 : i32
      %add3A_216 = arith.addi %mul3A_0, %add3A_215 : i32
      %multiple_of3A_217 = tpu.assume_multiple %add3A_216, 8 : i32
      %multiple_of3A_218 = arith.constant 9984 : i32
      %multiple_of3A_219 = tpu.assume_multiple %multiple_of3A_218, 8 : i32
      "tpu.region"() ({
        %run_scoped3A = tpu.sem_alloc : memref<!tpu.dma_semaphore, #tpu.memory_space<semaphore_mem>>
        %dma_start3A_220 = arith.constant 0 : i32
        %dma_start3A_221 = tpu.memref_slice %arg6[%multiple_of3A_219, %dma_start3A_220] : memref<10000x128xf32, #tpu.memory_space<vmem_shared>> -> memref<16x128xf32, #tpu.memory_space<vmem_shared>>
        %dma_start3A_222 = arith.constant 0 : i32
        %dma_start3A_223 = tpu.memref_slice %arg2[%multiple_of3A_217, %dma_start3A_222] : memref<20480x128xf32, #tpu.memory_space<hbm>> -> memref<16x128xf32, #tpu.memory_space<hbm>>
        tpu.enqueue_dma source(%dma_start3A_223 : memref<16x128xf32, #tpu.memory_space<hbm>>) target(%dma_start3A_221 : memref<16x128xf32, #tpu.memory_space<vmem_shared>>) target_semaphore(%run_scoped3A : memref<!tpu.dma_semaphore, #tpu.memory_space<semaphore_mem>>)
        %dma_wait3A_224 = arith.constant 0 : i32
        %dma_wait3A_225 = tpu.memref_slice %arg6[%multiple_of3A_219, %dma_wait3A_224] : memref<10000x128xf32, #tpu.memory_space<vmem_shared>> -> memref<16x128xf32, #tpu.memory_space<vmem_shared>>
        %dma_wait3A_226 = arith.constant 0 : i32
        %dma_wait3A_227 = tpu.memref_slice %arg2[%multiple_of3A_217, %dma_wait3A_226] : memref<20480x128xf32, #tpu.memory_space<hbm>> -> memref<16x128xf32, #tpu.memory_space<hbm>>
        tpu.wait_dma2 semaphore(%run_scoped3A : memref<!tpu.dma_semaphore, #tpu.memory_space<semaphore_mem>>) src(%dma_wait3A_227 : memref<16x128xf32, #tpu.memory_space<hbm>>) dst(%dma_wait3A_225 : memref<16x128xf32, #tpu.memory_space<vmem_shared>>)
        tpu.yield
      }) : () -> ()
    } else {
    }
    %barrier3A = arith.constant 0 : index
    tpu.barrier barrier_id(%barrier3A)
    %scan3A = arith.constant 0 : i32
    %scan3A_6 = arith.constant 0 : i32
    %scan3A_7 = arith.constant 62 : i32
    %scan3A_8 = arith.addi %scan3A_6, %scan3A_7 : i32
    %scan3A_9 = arith.constant 1 : i32
    scf.for %scan3A_215 = %scan3A_6 to %scan3A_8 step %scan3A_9  : i32 {
      %mul3A_216 = arith.constant 250 : i32
      %mul3A_217 = arith.muli %arg1, %mul3A_216 : i32
      %mul3A_218 = arith.constant 4 : i32
      %mul3A_219 = arith.muli %scan3A_215, %mul3A_218 : i32
      %add3A_220 = arith.addi %mul3A_217, %mul3A_219 : i32
      %mul3A_221 = arith.constant 320000 : i32
      %mul3A_222 = arith.muli %arg0, %mul3A_221 : i32
      %add3A_223 = arith.constant 0 : i32
      %add3A_224 = arith.addi %add3A_220, %add3A_223 : i32
      %mul3A_225 = arith.constant 80 : i32
      %mul3A_226 = arith.muli %add3A_224, %mul3A_225 : i32
      %add3A_227 = arith.addi %mul3A_222, %mul3A_226 : i32
      %multiple_of3A_228 = tpu.assume_multiple %add3A_227, 8 : i32
      %dma_start3A_229 = arith.constant 0 : i32
      %dma_start3A_230 = arith.constant 0 : i32
      %dma_start3A_231 = tpu.memref_slice %arg8[%dma_start3A_229, %dma_start3A_230] : memref<4x80xi32, #tpu.memory_space<vmem>> -> memref<1x80xi32, #tpu.memory_space<vmem>>
      %dma_start3A_232 = tpu.memref_squeeze %dma_start3A_231 : memref<1x80xi32, #tpu.memory_space<vmem>> -> memref<80xi32, #tpu.memory_space<vmem>>
      %dma_start3A_233 = tpu.memref_slice %arg3[%multiple_of3A_228] : memref<640000xi32, #tpu.memory_space<hbm>> -> memref<80xi32, #tpu.memory_space<hbm>>
      %dma_start3A_234 = arith.constant 0 : i32
      %dma_start3A_235 = tpu.memref_slice %arg8[%dma_start3A_229, %dma_start3A_234] : memref<4x80xi32, #tpu.memory_space<vmem>> -> memref<1x80xi32, #tpu.memory_space<vmem>>
      %dma_start3A_236 = tpu.memref_squeeze %dma_start3A_235 : memref<1x80xi32, #tpu.memory_space<vmem>> -> memref<80xi32, #tpu.memory_space<vmem>>
      %dma_start3A_237 = tpu.memref_slice %arg3[%multiple_of3A_228] : memref<640000xi32, #tpu.memory_space<hbm>> -> memref<80xi32, #tpu.memory_space<hbm>>
      tpu.enqueue_dma source(%dma_start3A_237 : memref<80xi32, #tpu.memory_space<hbm>>) target(%dma_start3A_236 : memref<80xi32, #tpu.memory_space<vmem>>) target_semaphore(%arg10 : memref<!tpu.dma_semaphore, #tpu.memory_space<semaphore_mem>>)
      %mul3A_238 = arith.constant 320000 : i32
      %mul3A_239 = arith.muli %arg0, %mul3A_238 : i32
      %add3A_240 = arith.constant 1 : i32
      %add3A_241 = arith.addi %add3A_220, %add3A_240 : i32
      %mul3A_242 = arith.constant 80 : i32
      %mul3A_243 = arith.muli %add3A_241, %mul3A_242 : i32
      %add3A_244 = arith.addi %mul3A_239, %mul3A_243 : i32
      %multiple_of3A_245 = tpu.assume_multiple %add3A_244, 8 : i32
      %dma_start3A_246 = arith.constant 1 : i32
      %dma_start3A_247 = arith.constant 0 : i32
      %dma_start3A_248 = tpu.memref_slice %arg8[%dma_start3A_246, %dma_start3A_247] : memref<4x80xi32, #tpu.memory_space<vmem>> -> memref<1x80xi32, #tpu.memory_space<vmem>>
      %dma_start3A_249 = tpu.memref_squeeze %dma_start3A_248 : memref<1x80xi32, #tpu.memory_space<vmem>> -> memref<80xi32, #tpu.memory_space<vmem>>
      %dma_start3A_250 = tpu.memref_slice %arg3[%multiple_of3A_245] : memref<640000xi32, #tpu.memory_space<hbm>> -> memref<80xi32, #tpu.memory_space<hbm>>
      %dma_start3A_251 = arith.constant 0 : i32
      %dma_start3A_252 = tpu.memref_slice %arg8[%dma_start3A_246, %dma_start3A_251] : memref<4x80xi32, #tpu.memory_space<vmem>> -> memref<1x80xi32, #tpu.memory_space<vmem>>
      %dma_start3A_253 = tpu.memref_squeeze %dma_start3A_252 : memref<1x80xi32, #tpu.memory_space<vmem>> -> memref<80xi32, #tpu.memory_space<vmem>>
      %dma_start3A_254 = tpu.memref_slice %arg3[%multiple_of3A_245] : memref<640000xi32, #tpu.memory_space<hbm>> -> memref<80xi32, #tpu.memory_space<hbm>>
      tpu.enqueue_dma source(%dma_start3A_254 : memref<80xi32, #tpu.memory_space<hbm>>) target(%dma_start3A_253 : memref<80xi32, #tpu.memory_space<vmem>>) target_semaphore(%arg10 : memref<!tpu.dma_semaphore, #tpu.memory_space<semaphore_mem>>)
      %mul3A_255 = arith.constant 320000 : i32
      %mul3A_256 = arith.muli %arg0, %mul3A_255 : i32
      %add3A_257 = arith.constant 2 : i32
      %add3A_258 = arith.addi %add3A_220, %add3A_257 : i32
      %mul3A_259 = arith.constant 80 : i32
      %mul3A_260 = arith.muli %add3A_258, %mul3A_259 : i32
      %add3A_261 = arith.addi %mul3A_256, %mul3A_260 : i32
      %multiple_of3A_262 = tpu.assume_multiple %add3A_261, 8 : i32
      %dma_start3A_263 = arith.constant 2 : i32
      %dma_start3A_264 = arith.constant 0 : i32
      %dma_start3A_265 = tpu.memref_slice %arg8[%dma_start3A_263, %dma_start3A_264] : memref<4x80xi32, #tpu.memory_space<vmem>> -> memref<1x80xi32, #tpu.memory_space<vmem>>
      %dma_start3A_266 = tpu.memref_squeeze %dma_start3A_265 : memref<1x80xi32, #tpu.memory_space<vmem>> -> memref<80xi32, #tpu.memory_space<vmem>>
      %dma_start3A_267 = tpu.memref_slice %arg3[%multiple_of3A_262] : memref<640000xi32, #tpu.memory_space<hbm>> -> memref<80xi32, #tpu.memory_space<hbm>>
      %dma_start3A_268 = arith.constant 0 : i32
      %dma_start3A_269 = tpu.memref_slice %arg8[%dma_start3A_263, %dma_start3A_268] : memref<4x80xi32, #tpu.memory_space<vmem>> -> memref<1x80xi32, #tpu.memory_space<vmem>>
      %dma_start3A_270 = tpu.memref_squeeze %dma_start3A_269 : memref<1x80xi32, #tpu.memory_space<vmem>> -> memref<80xi32, #tpu.memory_space<vmem>>
      %dma_start3A_271 = tpu.memref_slice %arg3[%multiple_of3A_262] : memref<640000xi32, #tpu.memory_space<hbm>> -> memref<80xi32, #tpu.memory_space<hbm>>
      tpu.enqueue_dma source(%dma_start3A_271 : memref<80xi32, #tpu.memory_space<hbm>>) target(%dma_start3A_270 : memref<80xi32, #tpu.memory_space<vmem>>) target_semaphore(%arg10 : memref<!tpu.dma_semaphore, #tpu.memory_space<semaphore_mem>>)
      %mul3A_272 = arith.constant 320000 : i32
      %mul3A_273 = arith.muli %arg0, %mul3A_272 : i32
      %add3A_274 = arith.constant 3 : i32
      %add3A_275 = arith.addi %add3A_220, %add3A_274 : i32
      %mul3A_276 = arith.constant 80 : i32
      %mul3A_277 = arith.muli %add3A_275, %mul3A_276 : i32
      %add3A_278 = arith.addi %mul3A_273, %mul3A_277 : i32
      %multiple_of3A_279 = tpu.assume_multiple %add3A_278, 8 : i32
      %dma_start3A_280 = arith.constant 3 : i32
      %dma_start3A_281 = arith.constant 0 : i32
      %dma_start3A_282 = tpu.memref_slice %arg8[%dma_start3A_280, %dma_start3A_281] : memref<4x80xi32, #tpu.memory_space<vmem>> -> memref<1x80xi32, #tpu.memory_space<vmem>>
      %dma_start3A_283 = tpu.memref_squeeze %dma_start3A_282 : memref<1x80xi32, #tpu.memory_space<vmem>> -> memref<80xi32, #tpu.memory_space<vmem>>
      %dma_start3A_284 = tpu.memref_slice %arg3[%multiple_of3A_279] : memref<640000xi32, #tpu.memory_space<hbm>> -> memref<80xi32, #tpu.memory_space<hbm>>
      %dma_start3A_285 = arith.constant 0 : i32
      %dma_start3A_286 = tpu.memref_slice %arg8[%dma_start3A_280, %dma_start3A_285] : memref<4x80xi32, #tpu.memory_space<vmem>> -> memref<1x80xi32, #tpu.memory_space<vmem>>
      %dma_start3A_287 = tpu.memref_squeeze %dma_start3A_286 : memref<1x80xi32, #tpu.memory_space<vmem>> -> memref<80xi32, #tpu.memory_space<vmem>>
      %dma_start3A_288 = tpu.memref_slice %arg3[%multiple_of3A_279] : memref<640000xi32, #tpu.memory_space<hbm>> -> memref<80xi32, #tpu.memory_space<hbm>>
      tpu.enqueue_dma source(%dma_start3A_288 : memref<80xi32, #tpu.memory_space<hbm>>) target(%dma_start3A_287 : memref<80xi32, #tpu.memory_space<vmem>>) target_semaphore(%arg10 : memref<!tpu.dma_semaphore, #tpu.memory_space<semaphore_mem>>)
      %add3A_289 = arith.constant 0 : i32
      %add3A_290 = arith.addi %add3A_220, %add3A_289 : i32
      %mul3A_291 = arith.constant 80 : i32
      %mul3A_292 = arith.muli %add3A_290, %mul3A_291 : i32
      %multiple_of3A_293 = tpu.assume_multiple %mul3A_292, 8 : i32
      %dma_start3A_294 = arith.constant 0 : i32
      %dma_start3A_295 = arith.constant 0 : i32
      %dma_start3A_296 = tpu.memref_slice %arg9[%dma_start3A_294, %dma_start3A_295] : memref<4x80xi32, #tpu.memory_space<vmem>> -> memref<1x80xi32, #tpu.memory_space<vmem>>
      %dma_start3A_297 = tpu.memref_squeeze %dma_start3A_296 : memref<1x80xi32, #tpu.memory_space<vmem>> -> memref<80xi32, #tpu.memory_space<vmem>>
      %dma_start3A_298 = tpu.memref_slice %arg4[%multiple_of3A_293] : memref<320000xi32, #tpu.memory_space<hbm>> -> memref<80xi32, #tpu.memory_space<hbm>>
      %dma_start3A_299 = arith.constant 0 : i32
      %dma_start3A_300 = tpu.memref_slice %arg9[%dma_start3A_294, %dma_start3A_299] : memref<4x80xi32, #tpu.memory_space<vmem>> -> memref<1x80xi32, #tpu.memory_space<vmem>>
      %dma_start3A_301 = tpu.memref_squeeze %dma_start3A_300 : memref<1x80xi32, #tpu.memory_space<vmem>> -> memref<80xi32, #tpu.memory_space<vmem>>
      %dma_start3A_302 = tpu.memref_slice %arg4[%multiple_of3A_293] : memref<320000xi32, #tpu.memory_space<hbm>> -> memref<80xi32, #tpu.memory_space<hbm>>
      tpu.enqueue_dma source(%dma_start3A_302 : memref<80xi32, #tpu.memory_space<hbm>>) target(%dma_start3A_301 : memref<80xi32, #tpu.memory_space<vmem>>) target_semaphore(%arg10 : memref<!tpu.dma_semaphore, #tpu.memory_space<semaphore_mem>>)
      %add3A_303 = arith.constant 1 : i32
      %add3A_304 = arith.addi %add3A_220, %add3A_303 : i32
      %mul3A_305 = arith.constant 80 : i32
      %mul3A_306 = arith.muli %add3A_304, %mul3A_305 : i32
      %multiple_of3A_307 = tpu.assume_multiple %mul3A_306, 8 : i32
      %dma_start3A_308 = arith.constant 1 : i32
      %dma_start3A_309 = arith.constant 0 : i32
      %dma_start3A_310 = tpu.memref_slice %arg9[%dma_start3A_308, %dma_start3A_309] : memref<4x80xi32, #tpu.memory_space<vmem>> -> memref<1x80xi32, #tpu.memory_space<vmem>>
      %dma_start3A_311 = tpu.memref_squeeze %dma_start3A_310 : memref<1x80xi32, #tpu.memory_space<vmem>> -> memref<80xi32, #tpu.memory_space<vmem>>
      %dma_start3A_312 = tpu.memref_slice %arg4[%multiple_of3A_307] : memref<320000xi32, #tpu.memory_space<hbm>> -> memref<80xi32, #tpu.memory_space<hbm>>
      %dma_start3A_313 = arith.constant 0 : i32
      %dma_start3A_314 = tpu.memref_slice %arg9[%dma_start3A_308, %dma_start3A_313] : memref<4x80xi32, #tpu.memory_space<vmem>> -> memref<1x80xi32, #tpu.memory_space<vmem>>
      %dma_start3A_315 = tpu.memref_squeeze %dma_start3A_314 : memref<1x80xi32, #tpu.memory_space<vmem>> -> memref<80xi32, #tpu.memory_space<vmem>>
      %dma_start3A_316 = tpu.memref_slice %arg4[%multiple_of3A_307] : memref<320000xi32, #tpu.memory_space<hbm>> -> memref<80xi32, #tpu.memory_space<hbm>>
      tpu.enqueue_dma source(%dma_start3A_316 : memref<80xi32, #tpu.memory_space<hbm>>) target(%dma_start3A_315 : memref<80xi32, #tpu.memory_space<vmem>>) target_semaphore(%arg10 : memref<!tpu.dma_semaphore, #tpu.memory_space<semaphore_mem>>)
      %add3A_317 = arith.constant 2 : i32
      %add3A_318 = arith.addi %add3A_220, %add3A_317 : i32
      %mul3A_319 = arith.constant 80 : i32
      %mul3A_320 = arith.muli %add3A_318, %mul3A_319 : i32
      %multiple_of3A_321 = tpu.assume_multiple %mul3A_320, 8 : i32
      %dma_start3A_322 = arith.constant 2 : i32
      %dma_start3A_323 = arith.constant 0 : i32
      %dma_start3A_324 = tpu.memref_slice %arg9[%dma_start3A_322, %dma_start3A_323] : memref<4x80xi32, #tpu.memory_space<vmem>> -> memref<1x80xi32, #tpu.memory_space<vmem>>
      %dma_start3A_325 = tpu.memref_squeeze %dma_start3A_324 : memref<1x80xi32, #tpu.memory_space<vmem>> -> memref<80xi32, #tpu.memory_space<vmem>>
      %dma_start3A_326 = tpu.memref_slice %arg4[%multiple_of3A_321] : memref<320000xi32, #tpu.memory_space<hbm>> -> memref<80xi32, #tpu.memory_space<hbm>>
      %dma_start3A_327 = arith.constant 0 : i32
      %dma_start3A_328 = tpu.memref_slice %arg9[%dma_start3A_322, %dma_start3A_327] : memref<4x80xi32, #tpu.memory_space<vmem>> -> memref<1x80xi32, #tpu.memory_space<vmem>>
      %dma_start3A_329 = tpu.memref_squeeze %dma_start3A_328 : memref<1x80xi32, #tpu.memory_space<vmem>> -> memref<80xi32, #tpu.memory_space<vmem>>
      %dma_start3A_330 = tpu.memref_slice %arg4[%multiple_of3A_321] : memref<320000xi32, #tpu.memory_space<hbm>> -> memref<80xi32, #tpu.memory_space<hbm>>
      tpu.enqueue_dma source(%dma_start3A_330 : memref<80xi32, #tpu.memory_space<hbm>>) target(%dma_start3A_329 : memref<80xi32, #tpu.memory_space<vmem>>) target_semaphore(%arg10 : memref<!tpu.dma_semaphore, #tpu.memory_space<semaphore_mem>>)
      %add3A_331 = arith.constant 3 : i32
      %add3A_332 = arith.addi %add3A_220, %add3A_331 : i32
      %mul3A_333 = arith.constant 80 : i32
      %mul3A_334 = arith.muli %add3A_332, %mul3A_333 : i32
      %multiple_of3A_335 = tpu.assume_multiple %mul3A_334, 8 : i32
      %dma_start3A_336 = arith.constant 3 : i32
      %dma_start3A_337 = arith.constant 0 : i32
      %dma_start3A_338 = tpu.memref_slice %arg9[%dma_start3A_336, %dma_start3A_337] : memref<4x80xi32, #tpu.memory_space<vmem>> -> memref<1x80xi32, #tpu.memory_space<vmem>>
      %dma_start3A_339 = tpu.memref_squeeze %dma_start3A_338 : memref<1x80xi32, #tpu.memory_space<vmem>> -> memref<80xi32, #tpu.memory_space<vmem>>
      %dma_start3A_340 = tpu.memref_slice %arg4[%multiple_of3A_335] : memref<320000xi32, #tpu.memory_space<hbm>> -> memref<80xi32, #tpu.memory_space<hbm>>
      %dma_start3A_341 = arith.constant 0 : i32
      %dma_start3A_342 = tpu.memref_slice %arg9[%dma_start3A_336, %dma_start3A_341] : memref<4x80xi32, #tpu.memory_space<vmem>> -> memref<1x80xi32, #tpu.memory_space<vmem>>
      %dma_start3A_343 = tpu.memref_squeeze %dma_start3A_342 : memref<1x80xi32, #tpu.memory_space<vmem>> -> memref<80xi32, #tpu.memory_space<vmem>>
      %dma_start3A_344 = tpu.memref_slice %arg4[%multiple_of3A_335] : memref<320000xi32, #tpu.memory_space<hbm>> -> memref<80xi32, #tpu.memory_space<hbm>>
      tpu.enqueue_dma source(%dma_start3A_344 : memref<80xi32, #tpu.memory_space<hbm>>) target(%dma_start3A_343 : memref<80xi32, #tpu.memory_space<vmem>>) target_semaphore(%arg10 : memref<!tpu.dma_semaphore, #tpu.memory_space<semaphore_mem>>)
      %dma_wait3A_345 = arith.constant 0 : i32
      %dma_wait3A_346 = arith.constant 0 : i32
      %dma_wait3A_347 = tpu.memref_slice %arg8[%dma_wait3A_345, %dma_wait3A_346] : memref<4x80xi32, #tpu.memory_space<vmem>> -> memref<1x80xi32, #tpu.memory_space<vmem>>
      %dma_wait3A_348 = tpu.memref_squeeze %dma_wait3A_347 : memref<1x80xi32, #tpu.memory_space<vmem>> -> memref<80xi32, #tpu.memory_space<vmem>>
      %dma_wait3A_349 = tpu.memref_slice %arg3[%multiple_of3A_228] : memref<640000xi32, #tpu.memory_space<hbm>> -> memref<80xi32, #tpu.memory_space<hbm>>
      %dma_wait3A_350 = arith.constant 0 : i32
      %dma_wait3A_351 = tpu.memref_slice %arg8[%dma_wait3A_345, %dma_wait3A_350] : memref<4x80xi32, #tpu.memory_space<vmem>> -> memref<1x80xi32, #tpu.memory_space<vmem>>
      %dma_wait3A_352 = tpu.memref_squeeze %dma_wait3A_351 : memref<1x80xi32, #tpu.memory_space<vmem>> -> memref<80xi32, #tpu.memory_space<vmem>>
      %dma_wait3A_353 = tpu.memref_slice %arg3[%multiple_of3A_228] : memref<640000xi32, #tpu.memory_space<hbm>> -> memref<80xi32, #tpu.memory_space<hbm>>
      tpu.wait_dma2 semaphore(%arg10 : memref<!tpu.dma_semaphore, #tpu.memory_space<semaphore_mem>>) src(%dma_wait3A_353 : memref<80xi32, #tpu.memory_space<hbm>>) dst(%dma_wait3A_352 : memref<80xi32, #tpu.memory_space<vmem>>)
      %dma_start3A_354 = arith.constant 0 : i32
      %dma_start3A_355 = arith.constant 0 : i32
      %dma_start3A_356 = arith.constant 0 : i32
      %dma_start3A_357 = arith.constant 0 : i32
      %dma_start3A_358 = tpu.memref_slice %arg7[%dma_start3A_355, %dma_start3A_356, %dma_start3A_357] : memref<4x80x128xf32, #tpu.memory_space<vmem>> -> memref<1x80x128xf32, #tpu.memory_space<vmem>>
      %dma_start3A_359 = tpu.memref_squeeze %dma_start3A_358 : memref<1x80x128xf32, #tpu.memory_space<vmem>> -> memref<80x128xf32, #tpu.memory_space<vmem>>
      %dma_start3A_360 = arith.constant 0 : i32
      %dma_start3A_361 = tpu.memref_slice %arg8[%dma_start3A_354, %dma_start3A_360] : memref<4x80xi32, #tpu.memory_space<vmem>> -> memref<1x80xi32, #tpu.memory_space<vmem>>
      %dma_start3A_362 = tpu.memref_squeeze %dma_start3A_361 : memref<1x80xi32, #tpu.memory_space<vmem>> -> memref<80xi32, #tpu.memory_space<vmem>>
      %dma_start3A_363 = arith.constant 0 : i32
      %dma_start3A_364 = arith.constant 0 : i32
      %dma_start3A_365 = tpu.memref_slice %arg2[%dma_start3A_363, %dma_start3A_364] : memref<20480x128xf32, #tpu.memory_space<hbm>> -> memref<20480x128xf32, #tpu.memory_space<hbm>>
      tpu.enqueue_indirect_dma source(%dma_start3A_365 : memref<20480x128xf32, #tpu.memory_space<hbm>>) target(%dma_start3A_359 : memref<80x128xf32, #tpu.memory_space<vmem>>) offsets(%dma_start3A_362 : memref<80xi32, #tpu.memory_space<vmem>>) semaphore(%arg11 : memref<!tpu.dma_semaphore, #tpu.memory_space<semaphore_mem>>)
      %dma_wait3A_366 = arith.constant 1 : i32
      %dma_wait3A_367 = arith.constant 0 : i32
      %dma_wait3A_368 = tpu.memref_slice %arg8[%dma_wait3A_366, %dma_wait3A_367] : memref<4x80xi32, #tpu.memory_space<vmem>> -> memref<1x80xi32, #tpu.memory_space<vmem>>
      %dma_wait3A_369 = tpu.memref_squeeze %dma_wait3A_368 : memref<1x80xi32, #tpu.memory_space<vmem>> -> memref<80xi32, #tpu.memory_space<vmem>>
      %dma_wait3A_370 = tpu.memref_slice %arg3[%multiple_of3A_245] : memref<640000xi32, #tpu.memory_space<hbm>> -> memref<80xi32, #tpu.memory_space<hbm>>
      %dma_wait3A_371 = arith.constant 0 : i32
      %dma_wait3A_372 = tpu.memref_slice %arg8[%dma_wait3A_366, %dma_wait3A_371] : memref<4x80xi32, #tpu.memory_space<vmem>> -> memref<1x80xi32, #tpu.memory_space<vmem>>
      %dma_wait3A_373 = tpu.memref_squeeze %dma_wait3A_372 : memref<1x80xi32, #tpu.memory_space<vmem>> -> memref<80xi32, #tpu.memory_space<vmem>>
      %dma_wait3A_374 = tpu.memref_slice %arg3[%multiple_of3A_245] : memref<640000xi32, #tpu.memory_space<hbm>> -> memref<80xi32, #tpu.memory_space<hbm>>
      tpu.wait_dma2 semaphore(%arg10 : memref<!tpu.dma_semaphore, #tpu.memory_space<semaphore_mem>>) src(%dma_wait3A_374 : memref<80xi32, #tpu.memory_space<hbm>>) dst(%dma_wait3A_373 : memref<80xi32, #tpu.memory_space<vmem>>)
      %dma_start3A_375 = arith.constant 1 : i32
      %dma_start3A_376 = arith.constant 1 : i32
      %dma_start3A_377 = arith.constant 0 : i32
      %dma_start3A_378 = arith.constant 0 : i32
      %dma_start3A_379 = tpu.memref_slice %arg7[%dma_start3A_376, %dma_start3A_377, %dma_start3A_378] : memref<4x80x128xf32, #tpu.memory_space<vmem>> -> memref<1x80x128xf32, #tpu.memory_space<vmem>>
      %dma_start3A_380 = tpu.memref_squeeze %dma_start3A_379 : memref<1x80x128xf32, #tpu.memory_space<vmem>> -> memref<80x128xf32, #tpu.memory_space<vmem>>
      %dma_start3A_381 = arith.constant 0 : i32
      %dma_start3A_382 = tpu.memref_slice %arg8[%dma_start3A_375, %dma_start3A_381] : memref<4x80xi32, #tpu.memory_space<vmem>> -> memref<1x80xi32, #tpu.memory_space<vmem>>
      %dma_start3A_383 = tpu.memref_squeeze %dma_start3A_382 : memref<1x80xi32, #tpu.memory_space<vmem>> -> memref<80xi32, #tpu.memory_space<vmem>>
      %dma_start3A_384 = arith.constant 0 : i32
      %dma_start3A_385 = arith.constant 0 : i32
      %dma_start3A_386 = tpu.memref_slice %arg2[%dma_start3A_384, %dma_start3A_385] : memref<20480x128xf32, #tpu.memory_space<hbm>> -> memref<20480x128xf32, #tpu.memory_space<hbm>>
      tpu.enqueue_indirect_dma source(%dma_start3A_386 : memref<20480x128xf32, #tpu.memory_space<hbm>>) target(%dma_start3A_380 : memref<80x128xf32, #tpu.memory_space<vmem>>) offsets(%dma_start3A_383 : memref<80xi32, #tpu.memory_space<vmem>>) semaphore(%arg11 : memref<!tpu.dma_semaphore, #tpu.memory_space<semaphore_mem>>)
      %dma_wait3A_387 = arith.constant 2 : i32
      %dma_wait3A_388 = arith.constant 0 : i32
      %dma_wait3A_389 = tpu.memref_slice %arg8[%dma_wait3A_387, %dma_wait3A_388] : memref<4x80xi32, #tpu.memory_space<vmem>> -> memref<1x80xi32, #tpu.memory_space<vmem>>
      %dma_wait3A_390 = tpu.memref_squeeze %dma_wait3A_389 : memref<1x80xi32, #tpu.memory_space<vmem>> -> memref<80xi32, #tpu.memory_space<vmem>>
      %dma_wait3A_391 = tpu.memref_slice %arg3[%multiple_of3A_262] : memref<640000xi32, #tpu.memory_space<hbm>> -> memref<80xi32, #tpu.memory_space<hbm>>
      %dma_wait3A_392 = arith.constant 0 : i32
      %dma_wait3A_393 = tpu.memref_slice %arg8[%dma_wait3A_387, %dma_wait3A_392] : memref<4x80xi32, #tpu.memory_space<vmem>> -> memref<1x80xi32, #tpu.memory_space<vmem>>
      %dma_wait3A_394 = tpu.memref_squeeze %dma_wait3A_393 : memref<1x80xi32, #tpu.memory_space<vmem>> -> memref<80xi32, #tpu.memory_space<vmem>>
      %dma_wait3A_395 = tpu.memref_slice %arg3[%multiple_of3A_262] : memref<640000xi32, #tpu.memory_space<hbm>> -> memref<80xi32, #tpu.memory_space<hbm>>
      tpu.wait_dma2 semaphore(%arg10 : memref<!tpu.dma_semaphore, #tpu.memory_space<semaphore_mem>>) src(%dma_wait3A_395 : memref<80xi32, #tpu.memory_space<hbm>>) dst(%dma_wait3A_394 : memref<80xi32, #tpu.memory_space<vmem>>)
      %dma_start3A_396 = arith.constant 2 : i32
      %dma_start3A_397 = arith.constant 2 : i32
      %dma_start3A_398 = arith.constant 0 : i32
      %dma_start3A_399 = arith.constant 0 : i32
      %dma_start3A_400 = tpu.memref_slice %arg7[%dma_start3A_397, %dma_start3A_398, %dma_start3A_399] : memref<4x80x128xf32, #tpu.memory_space<vmem>> -> memref<1x80x128xf32, #tpu.memory_space<vmem>>
      %dma_start3A_401 = tpu.memref_squeeze %dma_start3A_400 : memref<1x80x128xf32, #tpu.memory_space<vmem>> -> memref<80x128xf32, #tpu.memory_space<vmem>>
      %dma_start3A_402 = arith.constant 0 : i32
      %dma_start3A_403 = tpu.memref_slice %arg8[%dma_start3A_396, %dma_start3A_402] : memref<4x80xi32, #tpu.memory_space<vmem>> -> memref<1x80xi32, #tpu.memory_space<vmem>>
      %dma_start3A_404 = tpu.memref_squeeze %dma_start3A_403 : memref<1x80xi32, #tpu.memory_space<vmem>> -> memref<80xi32, #tpu.memory_space<vmem>>
      %dma_start3A_405 = arith.constant 0 : i32
      %dma_start3A_406 = arith.constant 0 : i32
      %dma_start3A_407 = tpu.memref_slice %arg2[%dma_start3A_405, %dma_start3A_406] : memref<20480x128xf32, #tpu.memory_space<hbm>> -> memref<20480x128xf32, #tpu.memory_space<hbm>>
      tpu.enqueue_indirect_dma source(%dma_start3A_407 : memref<20480x128xf32, #tpu.memory_space<hbm>>) target(%dma_start3A_401 : memref<80x128xf32, #tpu.memory_space<vmem>>) offsets(%dma_start3A_404 : memref<80xi32, #tpu.memory_space<vmem>>) semaphore(%arg11 : memref<!tpu.dma_semaphore, #tpu.memory_space<semaphore_mem>>)
      %dma_wait3A_408 = arith.constant 3 : i32
      %dma_wait3A_409 = arith.constant 0 : i32
      %dma_wait3A_410 = tpu.memref_slice %arg8[%dma_wait3A_408, %dma_wait3A_409] : memref<4x80xi32, #tpu.memory_space<vmem>> -> memref<1x80xi32, #tpu.memory_space<vmem>>
      %dma_wait3A_411 = tpu.memref_squeeze %dma_wait3A_410 : memref<1x80xi32, #tpu.memory_space<vmem>> -> memref<80xi32, #tpu.memory_space<vmem>>
      %dma_wait3A_412 = tpu.memref_slice %arg3[%multiple_of3A_279] : memref<640000xi32, #tpu.memory_space<hbm>> -> memref<80xi32, #tpu.memory_space<hbm>>
      %dma_wait3A_413 = arith.constant 0 : i32
      %dma_wait3A_414 = tpu.memref_slice %arg8[%dma_wait3A_408, %dma_wait3A_413] : memref<4x80xi32, #tpu.memory_space<vmem>> -> memref<1x80xi32, #tpu.memory_space<vmem>>
      %dma_wait3A_415 = tpu.memref_squeeze %dma_wait3A_414 : memref<1x80xi32, #tpu.memory_space<vmem>> -> memref<80xi32, #tpu.memory_space<vmem>>
      %dma_wait3A_416 = tpu.memref_slice %arg3[%multiple_of3A_279] : memref<640000xi32, #tpu.memory_space<hbm>> -> memref<80xi32, #tpu.memory_space<hbm>>
      tpu.wait_dma2 semaphore(%arg10 : memref<!tpu.dma_semaphore, #tpu.memory_space<semaphore_mem>>) src(%dma_wait3A_416 : memref<80xi32, #tpu.memory_space<hbm>>) dst(%dma_wait3A_415 : memref<80xi32, #tpu.memory_space<vmem>>)
      %dma_start3A_417 = arith.constant 3 : i32
      %dma_start3A_418 = arith.constant 3 : i32
      %dma_start3A_419 = arith.constant 0 : i32
      %dma_start3A_420 = arith.constant 0 : i32
      %dma_start3A_421 = tpu.memref_slice %arg7[%dma_start3A_418, %dma_start3A_419, %dma_start3A_420] : memref<4x80x128xf32, #tpu.memory_space<vmem>> -> memref<1x80x128xf32, #tpu.memory_space<vmem>>
      %dma_start3A_422 = tpu.memref_squeeze %dma_start3A_421 : memref<1x80x128xf32, #tpu.memory_space<vmem>> -> memref<80x128xf32, #tpu.memory_space<vmem>>
      %dma_start3A_423 = arith.constant 0 : i32
      %dma_start3A_424 = tpu.memref_slice %arg8[%dma_start3A_417, %dma_start3A_423] : memref<4x80xi32, #tpu.memory_space<vmem>> -> memref<1x80xi32, #tpu.memory_space<vmem>>
      %dma_start3A_425 = tpu.memref_squeeze %dma_start3A_424 : memref<1x80xi32, #tpu.memory_space<vmem>> -> memref<80xi32, #tpu.memory_space<vmem>>
      %dma_start3A_426 = arith.constant 0 : i32
      %dma_start3A_427 = arith.constant 0 : i32
      %dma_start3A_428 = tpu.memref_slice %arg2[%dma_start3A_426, %dma_start3A_427] : memref<20480x128xf32, #tpu.memory_space<hbm>> -> memref<20480x128xf32, #tpu.memory_space<hbm>>
      tpu.enqueue_indirect_dma source(%dma_start3A_428 : memref<20480x128xf32, #tpu.memory_space<hbm>>) target(%dma_start3A_422 : memref<80x128xf32, #tpu.memory_space<vmem>>) offsets(%dma_start3A_425 : memref<80xi32, #tpu.memory_space<vmem>>) semaphore(%arg11 : memref<!tpu.dma_semaphore, #tpu.memory_space<semaphore_mem>>)
      %dma_wait3A_429 = arith.constant 0 : i32
      %dma_wait3A_430 = arith.constant 0 : i32
      %dma_wait3A_431 = arith.constant 0 : i32
      %dma_wait3A_432 = arith.constant 0 : i32
      %dma_wait3A_433 = tpu.memref_slice %arg7[%dma_wait3A_430, %dma_wait3A_431, %dma_wait3A_432] : memref<4x80x128xf32, #tpu.memory_space<vmem>> -> memref<1x80x128xf32, #tpu.memory_space<vmem>>
      %dma_wait3A_434 = tpu.memref_squeeze %dma_wait3A_433 : memref<1x80x128xf32, #tpu.memory_space<vmem>> -> memref<80x128xf32, #tpu.memory_space<vmem>>
      %dma_wait3A_435 = arith.constant 0 : i32
      %dma_wait3A_436 = tpu.memref_slice %arg8[%dma_wait3A_429, %dma_wait3A_435] : memref<4x80xi32, #tpu.memory_space<vmem>> -> memref<1x80xi32, #tpu.memory_space<vmem>>
      %dma_wait3A_437 = tpu.memref_squeeze %dma_wait3A_436 : memref<1x80xi32, #tpu.memory_space<vmem>> -> memref<80xi32, #tpu.memory_space<vmem>>
      %dma_wait3A_438 = arith.constant 0 : i32
      %dma_wait3A_439 = arith.constant 0 : i32
      %dma_wait3A_440 = tpu.memref_slice %arg2[%dma_wait3A_438, %dma_wait3A_439] : memref<20480x128xf32, #tpu.memory_space<hbm>> -> memref<20480x128xf32, #tpu.memory_space<hbm>>
      tpu.wait_indirect_dma semaphore(%arg11 : memref<!tpu.dma_semaphore, #tpu.memory_space<semaphore_mem>>) src(%dma_wait3A_440 : memref<20480x128xf32, #tpu.memory_space<hbm>>) dst(%dma_wait3A_434 : memref<80x128xf32, #tpu.memory_space<vmem>>)
      %dma_wait3A_441 = arith.constant 0 : i32
      %dma_wait3A_442 = arith.constant 0 : i32
      %dma_wait3A_443 = tpu.memref_slice %arg9[%dma_wait3A_441, %dma_wait3A_442] : memref<4x80xi32, #tpu.memory_space<vmem>> -> memref<1x80xi32, #tpu.memory_space<vmem>>
      %dma_wait3A_444 = tpu.memref_squeeze %dma_wait3A_443 : memref<1x80xi32, #tpu.memory_space<vmem>> -> memref<80xi32, #tpu.memory_space<vmem>>
      %dma_wait3A_445 = tpu.memref_slice %arg4[%multiple_of3A_293] : memref<320000xi32, #tpu.memory_space<hbm>> -> memref<80xi32, #tpu.memory_space<hbm>>
      %dma_wait3A_446 = arith.constant 0 : i32
      %dma_wait3A_447 = tpu.memref_slice %arg9[%dma_wait3A_441, %dma_wait3A_446] : memref<4x80xi32, #tpu.memory_space<vmem>> -> memref<1x80xi32, #tpu.memory_space<vmem>>
      %dma_wait3A_448 = tpu.memref_squeeze %dma_wait3A_447 : memref<1x80xi32, #tpu.memory_space<vmem>> -> memref<80xi32, #tpu.memory_space<vmem>>
      %dma_wait3A_449 = tpu.memref_slice %arg4[%multiple_of3A_293] : memref<320000xi32, #tpu.memory_space<hbm>> -> memref<80xi32, #tpu.memory_space<hbm>>
      tpu.wait_dma2 semaphore(%arg10 : memref<!tpu.dma_semaphore, #tpu.memory_space<semaphore_mem>>) src(%dma_wait3A_449 : memref<80xi32, #tpu.memory_space<hbm>>) dst(%dma_wait3A_448 : memref<80xi32, #tpu.memory_space<vmem>>)
      %dma_start3A_450 = arith.constant 0 : i32
      %dma_start3A_451 = arith.constant 0 : i32
      %dma_start3A_452 = arith.constant 0 : i32
      %dma_start3A_453 = arith.constant 0 : i32
      %dma_start3A_454 = tpu.memref_slice %arg7[%dma_start3A_450, %dma_start3A_452, %dma_start3A_453] : memref<4x80x128xf32, #tpu.memory_space<vmem>> -> memref<1x80x128xf32, #tpu.memory_space<vmem>>
      %dma_start3A_455 = tpu.memref_squeeze %dma_start3A_454 : memref<1x80x128xf32, #tpu.memory_space<vmem>> -> memref<80x128xf32, #tpu.memory_space<vmem>>
      %dma_start3A_456 = arith.constant 0 : i32
      %dma_start3A_457 = tpu.memref_slice %arg9[%dma_start3A_451, %dma_start3A_456] : memref<4x80xi32, #tpu.memory_space<vmem>> -> memref<1x80xi32, #tpu.memory_space<vmem>>
      %dma_start3A_458 = tpu.memref_squeeze %dma_start3A_457 : memref<1x80xi32, #tpu.memory_space<vmem>> -> memref<80xi32, #tpu.memory_space<vmem>>
      %dma_start3A_459 = arith.constant 0 : i32
      %dma_start3A_460 = arith.constant 0 : i32
      %dma_start3A_461 = tpu.memref_slice %arg6[%dma_start3A_459, %dma_start3A_460] : memref<10000x128xf32, #tpu.memory_space<vmem_shared>> -> memref<10000x128xf32, #tpu.memory_space<vmem_shared>>
      tpu.enqueue_indirect_dma source(%dma_start3A_455 : memref<80x128xf32, #tpu.memory_space<vmem>>) target(%dma_start3A_461 : memref<10000x128xf32, #tpu.memory_space<vmem_shared>>) offsets(%dma_start3A_458 : memref<80xi32, #tpu.memory_space<vmem>>) semaphore(%arg12 : memref<!tpu.dma_semaphore, #tpu.memory_space<semaphore_mem>>) {add = true}
      %dma_wait3A_462 = arith.constant 1 : i32
      %dma_wait3A_463 = arith.constant 1 : i32
      %dma_wait3A_464 = arith.constant 0 : i32
      %dma_wait3A_465 = arith.constant 0 : i32
      %dma_wait3A_466 = tpu.memref_slice %arg7[%dma_wait3A_463, %dma_wait3A_464, %dma_wait3A_465] : memref<4x80x128xf32, #tpu.memory_space<vmem>> -> memref<1x80x128xf32, #tpu.memory_space<vmem>>
      %dma_wait3A_467 = tpu.memref_squeeze %dma_wait3A_466 : memref<1x80x128xf32, #tpu.memory_space<vmem>> -> memref<80x128xf32, #tpu.memory_space<vmem>>
      %dma_wait3A_468 = arith.constant 0 : i32
      %dma_wait3A_469 = tpu.memref_slice %arg8[%dma_wait3A_462, %dma_wait3A_468] : memref<4x80xi32, #tpu.memory_space<vmem>> -> memref<1x80xi32, #tpu.memory_space<vmem>>
      %dma_wait3A_470 = tpu.memref_squeeze %dma_wait3A_469 : memref<1x80xi32, #tpu.memory_space<vmem>> -> memref<80xi32, #tpu.memory_space<vmem>>
      %dma_wait3A_471 = arith.constant 0 : i32
      %dma_wait3A_472 = arith.constant 0 : i32
      %dma_wait3A_473 = tpu.memref_slice %arg2[%dma_wait3A_471, %dma_wait3A_472] : memref<20480x128xf32, #tpu.memory_space<hbm>> -> memref<20480x128xf32, #tpu.memory_space<hbm>>
      tpu.wait_indirect_dma semaphore(%arg11 : memref<!tpu.dma_semaphore, #tpu.memory_space<semaphore_mem>>) src(%dma_wait3A_473 : memref<20480x128xf32, #tpu.memory_space<hbm>>) dst(%dma_wait3A_467 : memref<80x128xf32, #tpu.memory_space<vmem>>)
      %dma_wait3A_474 = arith.constant 1 : i32
      %dma_wait3A_475 = arith.constant 0 : i32
      %dma_wait3A_476 = tpu.memref_slice %arg9[%dma_wait3A_474, %dma_wait3A_475] : memref<4x80xi32, #tpu.memory_space<vmem>> -> memref<1x80xi32, #tpu.memory_space<vmem>>
      %dma_wait3A_477 = tpu.memref_squeeze %dma_wait3A_476 : memref<1x80xi32, #tpu.memory_space<vmem>> -> memref<80xi32, #tpu.memory_space<vmem>>
      %dma_wait3A_478 = tpu.memref_slice %arg4[%multiple_of3A_307] : memref<320000xi32, #tpu.memory_space<hbm>> -> memref<80xi32, #tpu.memory_space<hbm>>
      %dma_wait3A_479 = arith.constant 0 : i32
      %dma_wait3A_480 = tpu.memref_slice %arg9[%dma_wait3A_474, %dma_wait3A_479] : memref<4x80xi32, #tpu.memory_space<vmem>> -> memref<1x80xi32, #tpu.memory_space<vmem>>
      %dma_wait3A_481 = tpu.memref_squeeze %dma_wait3A_480 : memref<1x80xi32, #tpu.memory_space<vmem>> -> memref<80xi32, #tpu.memory_space<vmem>>
      %dma_wait3A_482 = tpu.memref_slice %arg4[%multiple_of3A_307] : memref<320000xi32, #tpu.memory_space<hbm>> -> memref<80xi32, #tpu.memory_space<hbm>>
      tpu.wait_dma2 semaphore(%arg10 : memref<!tpu.dma_semaphore, #tpu.memory_space<semaphore_mem>>) src(%dma_wait3A_482 : memref<80xi32, #tpu.memory_space<hbm>>) dst(%dma_wait3A_481 : memref<80xi32, #tpu.memory_space<vmem>>)
      %dma_start3A_483 = arith.constant 1 : i32
      %dma_start3A_484 = arith.constant 1 : i32
      %dma_start3A_485 = arith.constant 0 : i32
      %dma_start3A_486 = arith.constant 0 : i32
      %dma_start3A_487 = tpu.memref_slice %arg7[%dma_start3A_483, %dma_start3A_485, %dma_start3A_486] : memref<4x80x128xf32, #tpu.memory_space<vmem>> -> memref<1x80x128xf32, #tpu.memory_space<vmem>>
      %dma_start3A_488 = tpu.memref_squeeze %dma_start3A_487 : memref<1x80x128xf32, #tpu.memory_space<vmem>> -> memref<80x128xf32, #tpu.memory_space<vmem>>
      %dma_start3A_489 = arith.constant 0 : i32
      %dma_start3A_490 = tpu.memref_slice %arg9[%dma_start3A_484, %dma_start3A_489] : memref<4x80xi32, #tpu.memory_space<vmem>> -> memref<1x80xi32, #tpu.memory_space<vmem>>
      %dma_start3A_491 = tpu.memref_squeeze %dma_start3A_490 : memref<1x80xi32, #tpu.memory_space<vmem>> -> memref<80xi32, #tpu.memory_space<vmem>>
      %dma_start3A_492 = arith.constant 0 : i32
      %dma_start3A_493 = arith.constant 0 : i32
      %dma_start3A_494 = tpu.memref_slice %arg6[%dma_start3A_492, %dma_start3A_493] : memref<10000x128xf32, #tpu.memory_space<vmem_shared>> -> memref<10000x128xf32, #tpu.memory_space<vmem_shared>>
      tpu.enqueue_indirect_dma source(%dma_start3A_488 : memref<80x128xf32, #tpu.memory_space<vmem>>) target(%dma_start3A_494 : memref<10000x128xf32, #tpu.memory_space<vmem_shared>>) offsets(%dma_start3A_491 : memref<80xi32, #tpu.memory_space<vmem>>) semaphore(%arg12 : memref<!tpu.dma_semaphore, #tpu.memory_space<semaphore_mem>>) {add = true}
      %dma_wait3A_495 = arith.constant 2 : i32
      %dma_wait3A_496 = arith.constant 2 : i32
      %dma_wait3A_497 = arith.constant 0 : i32
      %dma_wait3A_498 = arith.constant 0 : i32
      %dma_wait3A_499 = tpu.memref_slice %arg7[%dma_wait3A_496, %dma_wait3A_497, %dma_wait3A_498] : memref<4x80x128xf32, #tpu.memory_space<vmem>> -> memref<1x80x128xf32, #tpu.memory_space<vmem>>
      %dma_wait3A_500 = tpu.memref_squeeze %dma_wait3A_499 : memref<1x80x128xf32, #tpu.memory_space<vmem>> -> memref<80x128xf32, #tpu.memory_space<vmem>>
      %dma_wait3A_501 = arith.constant 0 : i32
      %dma_wait3A_502 = tpu.memref_slice %arg8[%dma_wait3A_495, %dma_wait3A_501] : memref<4x80xi32, #tpu.memory_space<vmem>> -> memref<1x80xi32, #tpu.memory_space<vmem>>
      %dma_wait3A_503 = tpu.memref_squeeze %dma_wait3A_502 : memref<1x80xi32, #tpu.memory_space<vmem>> -> memref<80xi32, #tpu.memory_space<vmem>>
      %dma_wait3A_504 = arith.constant 0 : i32
      %dma_wait3A_505 = arith.constant 0 : i32
      %dma_wait3A_506 = tpu.memref_slice %arg2[%dma_wait3A_504, %dma_wait3A_505] : memref<20480x128xf32, #tpu.memory_space<hbm>> -> memref<20480x128xf32, #tpu.memory_space<hbm>>
      tpu.wait_indirect_dma semaphore(%arg11 : memref<!tpu.dma_semaphore, #tpu.memory_space<semaphore_mem>>) src(%dma_wait3A_506 : memref<20480x128xf32, #tpu.memory_space<hbm>>) dst(%dma_wait3A_500 : memref<80x128xf32, #tpu.memory_space<vmem>>)
      %dma_wait3A_507 = arith.constant 2 : i32
      %dma_wait3A_508 = arith.constant 0 : i32
      %dma_wait3A_509 = tpu.memref_slice %arg9[%dma_wait3A_507, %dma_wait3A_508] : memref<4x80xi32, #tpu.memory_space<vmem>> -> memref<1x80xi32, #tpu.memory_space<vmem>>
      %dma_wait3A_510 = tpu.memref_squeeze %dma_wait3A_509 : memref<1x80xi32, #tpu.memory_space<vmem>> -> memref<80xi32, #tpu.memory_space<vmem>>
      %dma_wait3A_511 = tpu.memref_slice %arg4[%multiple_of3A_321] : memref<320000xi32, #tpu.memory_space<hbm>> -> memref<80xi32, #tpu.memory_space<hbm>>
      %dma_wait3A_512 = arith.constant 0 : i32
      %dma_wait3A_513 = tpu.memref_slice %arg9[%dma_wait3A_507, %dma_wait3A_512] : memref<4x80xi32, #tpu.memory_space<vmem>> -> memref<1x80xi32, #tpu.memory_space<vmem>>
      %dma_wait3A_514 = tpu.memref_squeeze %dma_wait3A_513 : memref<1x80xi32, #tpu.memory_space<vmem>> -> memref<80xi32, #tpu.memory_space<vmem>>
      %dma_wait3A_515 = tpu.memref_slice %arg4[%multiple_of3A_321] : memref<320000xi32, #tpu.memory_space<hbm>> -> memref<80xi32, #tpu.memory_space<hbm>>
      tpu.wait_dma2 semaphore(%arg10 : memref<!tpu.dma_semaphore, #tpu.memory_space<semaphore_mem>>) src(%dma_wait3A_515 : memref<80xi32, #tpu.memory_space<hbm>>) dst(%dma_wait3A_514 : memref<80xi32, #tpu.memory_space<vmem>>)
      %dma_start3A_516 = arith.constant 2 : i32
      %dma_start3A_517 = arith.constant 2 : i32
      %dma_start3A_518 = arith.constant 0 : i32
      %dma_start3A_519 = arith.constant 0 : i32
      %dma_start3A_520 = tpu.memref_slice %arg7[%dma_start3A_516, %dma_start3A_518, %dma_start3A_519] : memref<4x80x128xf32, #tpu.memory_space<vmem>> -> memref<1x80x128xf32, #tpu.memory_space<vmem>>
      %dma_start3A_521 = tpu.memref_squeeze %dma_start3A_520 : memref<1x80x128xf32, #tpu.memory_space<vmem>> -> memref<80x128xf32, #tpu.memory_space<vmem>>
      %dma_start3A_522 = arith.constant 0 : i32
      %dma_start3A_523 = tpu.memref_slice %arg9[%dma_start3A_517, %dma_start3A_522] : memref<4x80xi32, #tpu.memory_space<vmem>> -> memref<1x80xi32, #tpu.memory_space<vmem>>
      %dma_start3A_524 = tpu.memref_squeeze %dma_start3A_523 : memref<1x80xi32, #tpu.memory_space<vmem>> -> memref<80xi32, #tpu.memory_space<vmem>>
      %dma_start3A_525 = arith.constant 0 : i32
      %dma_start3A_526 = arith.constant 0 : i32
      %dma_start3A_527 = tpu.memref_slice %arg6[%dma_start3A_525, %dma_start3A_526] : memref<10000x128xf32, #tpu.memory_space<vmem_shared>> -> memref<10000x128xf32, #tpu.memory_space<vmem_shared>>
      tpu.enqueue_indirect_dma source(%dma_start3A_521 : memref<80x128xf32, #tpu.memory_space<vmem>>) target(%dma_start3A_527 : memref<10000x128xf32, #tpu.memory_space<vmem_shared>>) offsets(%dma_start3A_524 : memref<80xi32, #tpu.memory_space<vmem>>) semaphore(%arg12 : memref<!tpu.dma_semaphore, #tpu.memory_space<semaphore_mem>>) {add = true}
      %dma_wait3A_528 = arith.constant 3 : i32
      %dma_wait3A_529 = arith.constant 3 : i32
      %dma_wait3A_530 = arith.constant 0 : i32
      %dma_wait3A_531 = arith.constant 0 : i32
      %dma_wait3A_532 = tpu.memref_slice %arg7[%dma_wait3A_529, %dma_wait3A_530, %dma_wait3A_531] : memref<4x80x128xf32, #tpu.memory_space<vmem>> -> memref<1x80x128xf32, #tpu.memory_space<vmem>>
      %dma_wait3A_533 = tpu.memref_squeeze %dma_wait3A_532 : memref<1x80x128xf32, #tpu.memory_space<vmem>> -> memref<80x128xf32, #tpu.memory_space<vmem>>
      %dma_wait3A_534 = arith.constant 0 : i32
      %dma_wait3A_535 = tpu.memref_slice %arg8[%dma_wait3A_528, %dma_wait3A_534] : memref<4x80xi32, #tpu.memory_space<vmem>> -> memref<1x80xi32, #tpu.memory_space<vmem>>
      %dma_wait3A_536 = tpu.memref_squeeze %dma_wait3A_535 : memref<1x80xi32, #tpu.memory_space<vmem>> -> memref<80xi32, #tpu.memory_space<vmem>>
      %dma_wait3A_537 = arith.constant 0 : i32
      %dma_wait3A_538 = arith.constant 0 : i32
      %dma_wait3A_539 = tpu.memref_slice %arg2[%dma_wait3A_537, %dma_wait3A_538] : memref<20480x128xf32, #tpu.memory_space<hbm>> -> memref<20480x128xf32, #tpu.memory_space<hbm>>
      tpu.wait_indirect_dma semaphore(%arg11 : memref<!tpu.dma_semaphore, #tpu.memory_space<semaphore_mem>>) src(%dma_wait3A_539 : memref<20480x128xf32, #tpu.memory_space<hbm>>) dst(%dma_wait3A_533 : memref<80x128xf32, #tpu.memory_space<vmem>>)
      %dma_wait3A_540 = arith.constant 3 : i32
      %dma_wait3A_541 = arith.constant 0 : i32
      %dma_wait3A_542 = tpu.memref_slice %arg9[%dma_wait3A_540, %dma_wait3A_541] : memref<4x80xi32, #tpu.memory_space<vmem>> -> memref<1x80xi32, #tpu.memory_space<vmem>>
      %dma_wait3A_543 = tpu.memref_squeeze %dma_wait3A_542 : memref<1x80xi32, #tpu.memory_space<vmem>> -> memref<80xi32, #tpu.memory_space<vmem>>
      %dma_wait3A_544 = tpu.memref_slice %arg4[%multiple_of3A_335] : memref<320000xi32, #tpu.memory_space<hbm>> -> memref<80xi32, #tpu.memory_space<hbm>>
      %dma_wait3A_545 = arith.constant 0 : i32
      %dma_wait3A_546 = tpu.memref_slice %arg9[%dma_wait3A_540, %dma_wait3A_545] : memref<4x80xi32, #tpu.memory_space<vmem>> -> memref<1x80xi32, #tpu.memory_space<vmem>>
      %dma_wait3A_547 = tpu.memref_squeeze %dma_wait3A_546 : memref<1x80xi32, #tpu.memory_space<vmem>> -> memref<80xi32, #tpu.memory_space<vmem>>
      %dma_wait3A_548 = tpu.memref_slice %arg4[%multiple_of3A_335] : memref<320000xi32, #tpu.memory_space<hbm>> -> memref<80xi32, #tpu.memory_space<hbm>>
      tpu.wait_dma2 semaphore(%arg10 : memref<!tpu.dma_semaphore, #tpu.memory_space<semaphore_mem>>) src(%dma_wait3A_548 : memref<80xi32, #tpu.memory_space<hbm>>) dst(%dma_wait3A_547 : memref<80xi32, #tpu.memory_space<vmem>>)
      %dma_start3A_549 = arith.constant 3 : i32
      %dma_start3A_550 = arith.constant 3 : i32
      %dma_start3A_551 = arith.constant 0 : i32
      %dma_start3A_552 = arith.constant 0 : i32
      %dma_start3A_553 = tpu.memref_slice %arg7[%dma_start3A_549, %dma_start3A_551, %dma_start3A_552] : memref<4x80x128xf32, #tpu.memory_space<vmem>> -> memref<1x80x128xf32, #tpu.memory_space<vmem>>
      %dma_start3A_554 = tpu.memref_squeeze %dma_start3A_553 : memref<1x80x128xf32, #tpu.memory_space<vmem>> -> memref<80x128xf32, #tpu.memory_space<vmem>>
      %dma_start3A_555 = arith.constant 0 : i32
      %dma_start3A_556 = tpu.memref_slice %arg9[%dma_start3A_550, %dma_start3A_555] : memref<4x80xi32, #tpu.memory_space<vmem>> -> memref<1x80xi32, #tpu.memory_space<vmem>>
      %dma_start3A_557 = tpu.memref_squeeze %dma_start3A_556 : memref<1x80xi32, #tpu.memory_space<vmem>> -> memref<80xi32, #tpu.memory_space<vmem>>
      %dma_start3A_558 = arith.constant 0 : i32
      %dma_start3A_559 = arith.constant 0 : i32
      %dma_start3A_560 = tpu.memref_slice %arg6[%dma_start3A_558, %dma_start3A_559] : memref<10000x128xf32, #tpu.memory_space<vmem_shared>> -> memref<10000x128xf32, #tpu.memory_space<vmem_shared>>
      tpu.enqueue_indirect_dma source(%dma_start3A_554 : memref<80x128xf32, #tpu.memory_space<vmem>>) target(%dma_start3A_560 : memref<10000x128xf32, #tpu.memory_space<vmem_shared>>) offsets(%dma_start3A_557 : memref<80xi32, #tpu.memory_space<vmem>>) semaphore(%arg12 : memref<!tpu.dma_semaphore, #tpu.memory_space<semaphore_mem>>) {add = true}
      %dma_wait3A_561 = arith.constant 0 : i32
      %dma_wait3A_562 = arith.constant 0 : i32
      %dma_wait3A_563 = arith.constant 0 : i32
      %dma_wait3A_564 = arith.constant 0 : i32
      %dma_wait3A_565 = tpu.memref_slice %arg7[%dma_wait3A_561, %dma_wait3A_563, %dma_wait3A_564] : memref<4x80x128xf32, #tpu.memory_space<vmem>> -> memref<1x80x128xf32, #tpu.memory_space<vmem>>
      %dma_wait3A_566 = tpu.memref_squeeze %dma_wait3A_565 : memref<1x80x128xf32, #tpu.memory_space<vmem>> -> memref<80x128xf32, #tpu.memory_space<vmem>>
      %dma_wait3A_567 = arith.constant 0 : i32
      %dma_wait3A_568 = tpu.memref_slice %arg9[%dma_wait3A_562, %dma_wait3A_567] : memref<4x80xi32, #tpu.memory_space<vmem>> -> memref<1x80xi32, #tpu.memory_space<vmem>>
      %dma_wait3A_569 = tpu.memref_squeeze %dma_wait3A_568 : memref<1x80xi32, #tpu.memory_space<vmem>> -> memref<80xi32, #tpu.memory_space<vmem>>
      %dma_wait3A_570 = arith.constant 0 : i32
      %dma_wait3A_571 = arith.constant 0 : i32
      %dma_wait3A_572 = tpu.memref_slice %arg6[%dma_wait3A_570, %dma_wait3A_571] : memref<10000x128xf32, #tpu.memory_space<vmem_shared>> -> memref<10000x128xf32, #tpu.memory_space<vmem_shared>>
      tpu.wait_indirect_dma semaphore(%arg12 : memref<!tpu.dma_semaphore, #tpu.memory_space<semaphore_mem>>) src(%dma_wait3A_566 : memref<80x128xf32, #tpu.memory_space<vmem>>) dst(%dma_wait3A_572 : memref<10000x128xf32, #tpu.memory_space<vmem_shared>>)
      %dma_wait3A_573 = arith.constant 1 : i32
      %dma_wait3A_574 = arith.constant 1 : i32
      %dma_wait3A_575 = arith.constant 0 : i32
      %dma_wait3A_576 = arith.constant 0 : i32
      %dma_wait3A_577 = tpu.memref_slice %arg7[%dma_wait3A_573, %dma_wait3A_575, %dma_wait3A_576] : memref<4x80x128xf32, #tpu.memory_space<vmem>> -> memref<1x80x128xf32, #tpu.memory_space<vmem>>
      %dma_wait3A_578 = tpu.memref_squeeze %dma_wait3A_577 : memref<1x80x128xf32, #tpu.memory_space<vmem>> -> memref<80x128xf32, #tpu.memory_space<vmem>>
      %dma_wait3A_579 = arith.constant 0 : i32
      %dma_wait3A_580 = tpu.memref_slice %arg9[%dma_wait3A_574, %dma_wait3A_579] : memref<4x80xi32, #tpu.memory_space<vmem>> -> memref<1x80xi32, #tpu.memory_space<vmem>>
      %dma_wait3A_581 = tpu.memref_squeeze %dma_wait3A_580 : memref<1x80xi32, #tpu.memory_space<vmem>> -> memref<80xi32, #tpu.memory_space<vmem>>
      %dma_wait3A_582 = arith.constant 0 : i32
      %dma_wait3A_583 = arith.constant 0 : i32
      %dma_wait3A_584 = tpu.memref_slice %arg6[%dma_wait3A_582, %dma_wait3A_583] : memref<10000x128xf32, #tpu.memory_space<vmem_shared>> -> memref<10000x128xf32, #tpu.memory_space<vmem_shared>>
      tpu.wait_indirect_dma semaphore(%arg12 : memref<!tpu.dma_semaphore, #tpu.memory_space<semaphore_mem>>) src(%dma_wait3A_578 : memref<80x128xf32, #tpu.memory_space<vmem>>) dst(%dma_wait3A_584 : memref<10000x128xf32, #tpu.memory_space<vmem_shared>>)
      %dma_wait3A_585 = arith.constant 2 : i32
      %dma_wait3A_586 = arith.constant 2 : i32
      %dma_wait3A_587 = arith.constant 0 : i32
      %dma_wait3A_588 = arith.constant 0 : i32
      %dma_wait3A_589 = tpu.memref_slice %arg7[%dma_wait3A_585, %dma_wait3A_587, %dma_wait3A_588] : memref<4x80x128xf32, #tpu.memory_space<vmem>> -> memref<1x80x128xf32, #tpu.memory_space<vmem>>
      %dma_wait3A_590 = tpu.memref_squeeze %dma_wait3A_589 : memref<1x80x128xf32, #tpu.memory_space<vmem>> -> memref<80x128xf32, #tpu.memory_space<vmem>>
      %dma_wait3A_591 = arith.constant 0 : i32
      %dma_wait3A_592 = tpu.memref_slice %arg9[%dma_wait3A_586, %dma_wait3A_591] : memref<4x80xi32, #tpu.memory_space<vmem>> -> memref<1x80xi32, #tpu.memory_space<vmem>>
      %dma_wait3A_593 = tpu.memref_squeeze %dma_wait3A_592 : memref<1x80xi32, #tpu.memory_space<vmem>> -> memref<80xi32, #tpu.memory_space<vmem>>
      %dma_wait3A_594 = arith.constant 0 : i32
      %dma_wait3A_595 = arith.constant 0 : i32
      %dma_wait3A_596 = tpu.memref_slice %arg6[%dma_wait3A_594, %dma_wait3A_595] : memref<10000x128xf32, #tpu.memory_space<vmem_shared>> -> memref<10000x128xf32, #tpu.memory_space<vmem_shared>>
      tpu.wait_indirect_dma semaphore(%arg12 : memref<!tpu.dma_semaphore, #tpu.memory_space<semaphore_mem>>) src(%dma_wait3A_590 : memref<80x128xf32, #tpu.memory_space<vmem>>) dst(%dma_wait3A_596 : memref<10000x128xf32, #tpu.memory_space<vmem_shared>>)
      %dma_wait3A_597 = arith.constant 3 : i32
      %dma_wait3A_598 = arith.constant 3 : i32
      %dma_wait3A_599 = arith.constant 0 : i32
      %dma_wait3A_600 = arith.constant 0 : i32
      %dma_wait3A_601 = tpu.memref_slice %arg7[%dma_wait3A_597, %dma_wait3A_599, %dma_wait3A_600] : memref<4x80x128xf32, #tpu.memory_space<vmem>> -> memref<1x80x128xf32, #tpu.memory_space<vmem>>
      %dma_wait3A_602 = tpu.memref_squeeze %dma_wait3A_601 : memref<1x80x128xf32, #tpu.memory_space<vmem>> -> memref<80x128xf32, #tpu.memory_space<vmem>>
      %dma_wait3A_603 = arith.constant 0 : i32
      %dma_wait3A_604 = tpu.memref_slice %arg9[%dma_wait3A_598, %dma_wait3A_603] : memref<4x80xi32, #tpu.memory_space<vmem>> -> memref<1x80xi32, #tpu.memory_space<vmem>>
      %dma_wait3A_605 = tpu.memref_squeeze %dma_wait3A_604 : memref<1x80xi32, #tpu.memory_space<vmem>> -> memref<80xi32, #tpu.memory_space<vmem>>
      %dma_wait3A_606 = arith.constant 0 : i32
      %dma_wait3A_607 = arith.constant 0 : i32
      %dma_wait3A_608 = tpu.memref_slice %arg6[%dma_wait3A_606, %dma_wait3A_607] : memref<10000x128xf32, #tpu.memory_space<vmem_shared>> -> memref<10000x128xf32, #tpu.memory_space<vmem_shared>>
      tpu.wait_indirect_dma semaphore(%arg12 : memref<!tpu.dma_semaphore, #tpu.memory_space<semaphore_mem>>) src(%dma_wait3A_602 : memref<80x128xf32, #tpu.memory_space<vmem>>) dst(%dma_wait3A_608 : memref<10000x128xf32, #tpu.memory_space<vmem_shared>>)
    }
    %scan3A_10 = arith.constant 62 : i32
    %mul3A_11 = arith.constant 250 : i32
    %mul3A_12 = arith.muli %arg1, %mul3A_11 : i32
    %add3A_13 = arith.constant 248 : i32
    %add3A_14 = arith.addi %mul3A_12, %add3A_13 : i32
    %mul3A_15 = arith.constant 320000 : i32
    %mul3A_16 = arith.muli %arg0, %mul3A_15 : i32
    %add3A_17 = arith.constant 0 : i32
    %add3A_18 = arith.addi %add3A_14, %add3A_17 : i32
    %mul3A_19 = arith.constant 80 : i32
    %mul3A_20 = arith.muli %add3A_18, %mul3A_19 : i32
    %add3A_21 = arith.addi %mul3A_16, %mul3A_20 : i32
    %multiple_of3A_22 = tpu.assume_multiple %add3A_21, 8 : i32
    %dma_start3A = arith.constant 0 : i32
    %dma_start3A_23 = arith.constant 0 : i32
    %dma_start3A_24 = tpu.memref_slice %arg8[%dma_start3A, %dma_start3A_23] : memref<4x80xi32, #tpu.memory_space<vmem>> -> memref<1x80xi32, #tpu.memory_space<vmem>>
    %dma_start3A_25 = tpu.memref_squeeze %dma_start3A_24 : memref<1x80xi32, #tpu.memory_space<vmem>> -> memref<80xi32, #tpu.memory_space<vmem>>
    %dma_start3A_26 = tpu.memref_slice %arg3[%multiple_of3A_22] : memref<640000xi32, #tpu.memory_space<hbm>> -> memref<80xi32, #tpu.memory_space<hbm>>
    %dma_start3A_27 = arith.constant 0 : i32
    %dma_start3A_28 = tpu.memref_slice %arg8[%dma_start3A, %dma_start3A_27] : memref<4x80xi32, #tpu.memory_space<vmem>> -> memref<1x80xi32, #tpu.memory_space<vmem>>
    %dma_start3A_29 = tpu.memref_squeeze %dma_start3A_28 : memref<1x80xi32, #tpu.memory_space<vmem>> -> memref<80xi32, #tpu.memory_space<vmem>>
    %dma_start3A_30 = tpu.memref_slice %arg3[%multiple_of3A_22] : memref<640000xi32, #tpu.memory_space<hbm>> -> memref<80xi32, #tpu.memory_space<hbm>>
    tpu.enqueue_dma source(%dma_start3A_30 : memref<80xi32, #tpu.memory_space<hbm>>) target(%dma_start3A_29 : memref<80xi32, #tpu.memory_space<vmem>>) target_semaphore(%arg10 : memref<!tpu.dma_semaphore, #tpu.memory_space<semaphore_mem>>)
    %mul3A_31 = arith.constant 320000 : i32
    %mul3A_32 = arith.muli %arg0, %mul3A_31 : i32
    %add3A_33 = arith.constant 1 : i32
    %add3A_34 = arith.addi %add3A_14, %add3A_33 : i32
    %mul3A_35 = arith.constant 80 : i32
    %mul3A_36 = arith.muli %add3A_34, %mul3A_35 : i32
    %add3A_37 = arith.addi %mul3A_32, %mul3A_36 : i32
    %multiple_of3A_38 = tpu.assume_multiple %add3A_37, 8 : i32
    %dma_start3A_39 = arith.constant 1 : i32
    %dma_start3A_40 = arith.constant 0 : i32
    %dma_start3A_41 = tpu.memref_slice %arg8[%dma_start3A_39, %dma_start3A_40] : memref<4x80xi32, #tpu.memory_space<vmem>> -> memref<1x80xi32, #tpu.memory_space<vmem>>
    %dma_start3A_42 = tpu.memref_squeeze %dma_start3A_41 : memref<1x80xi32, #tpu.memory_space<vmem>> -> memref<80xi32, #tpu.memory_space<vmem>>
    %dma_start3A_43 = tpu.memref_slice %arg3[%multiple_of3A_38] : memref<640000xi32, #tpu.memory_space<hbm>> -> memref<80xi32, #tpu.memory_space<hbm>>
    %dma_start3A_44 = arith.constant 0 : i32
    %dma_start3A_45 = tpu.memref_slice %arg8[%dma_start3A_39, %dma_start3A_44] : memref<4x80xi32, #tpu.memory_space<vmem>> -> memref<1x80xi32, #tpu.memory_space<vmem>>
    %dma_start3A_46 = tpu.memref_squeeze %dma_start3A_45 : memref<1x80xi32, #tpu.memory_space<vmem>> -> memref<80xi32, #tpu.memory_space<vmem>>
    %dma_start3A_47 = tpu.memref_slice %arg3[%multiple_of3A_38] : memref<640000xi32, #tpu.memory_space<hbm>> -> memref<80xi32, #tpu.memory_space<hbm>>
    tpu.enqueue_dma source(%dma_start3A_47 : memref<80xi32, #tpu.memory_space<hbm>>) target(%dma_start3A_46 : memref<80xi32, #tpu.memory_space<vmem>>) target_semaphore(%arg10 : memref<!tpu.dma_semaphore, #tpu.memory_space<semaphore_mem>>)
    %add3A_48 = arith.constant 0 : i32
    %add3A_49 = arith.addi %add3A_14, %add3A_48 : i32
    %mul3A_50 = arith.constant 80 : i32
    %mul3A_51 = arith.muli %add3A_49, %mul3A_50 : i32
    %multiple_of3A_52 = tpu.assume_multiple %mul3A_51, 8 : i32
    %dma_start3A_53 = arith.constant 0 : i32
    %dma_start3A_54 = arith.constant 0 : i32
    %dma_start3A_55 = tpu.memref_slice %arg9[%dma_start3A_53, %dma_start3A_54] : memref<4x80xi32, #tpu.memory_space<vmem>> -> memref<1x80xi32, #tpu.memory_space<vmem>>
    %dma_start3A_56 = tpu.memref_squeeze %dma_start3A_55 : memref<1x80xi32, #tpu.memory_space<vmem>> -> memref<80xi32, #tpu.memory_space<vmem>>
    %dma_start3A_57 = tpu.memref_slice %arg4[%multiple_of3A_52] : memref<320000xi32, #tpu.memory_space<hbm>> -> memref<80xi32, #tpu.memory_space<hbm>>
    %dma_start3A_58 = arith.constant 0 : i32
    %dma_start3A_59 = tpu.memref_slice %arg9[%dma_start3A_53, %dma_start3A_58] : memref<4x80xi32, #tpu.memory_space<vmem>> -> memref<1x80xi32, #tpu.memory_space<vmem>>
    %dma_start3A_60 = tpu.memref_squeeze %dma_start3A_59 : memref<1x80xi32, #tpu.memory_space<vmem>> -> memref<80xi32, #tpu.memory_space<vmem>>
    %dma_start3A_61 = tpu.memref_slice %arg4[%multiple_of3A_52] : memref<320000xi32, #tpu.memory_space<hbm>> -> memref<80xi32, #tpu.memory_space<hbm>>
    tpu.enqueue_dma source(%dma_start3A_61 : memref<80xi32, #tpu.memory_space<hbm>>) target(%dma_start3A_60 : memref<80xi32, #tpu.memory_space<vmem>>) target_semaphore(%arg10 : memref<!tpu.dma_semaphore, #tpu.memory_space<semaphore_mem>>)
    %add3A_62 = arith.constant 1 : i32
    %add3A_63 = arith.addi %add3A_14, %add3A_62 : i32
    %mul3A_64 = arith.constant 80 : i32
    %mul3A_65 = arith.muli %add3A_63, %mul3A_64 : i32
    %multiple_of3A_66 = tpu.assume_multiple %mul3A_65, 8 : i32
    %dma_start3A_67 = arith.constant 1 : i32
    %dma_start3A_68 = arith.constant 0 : i32
    %dma_start3A_69 = tpu.memref_slice %arg9[%dma_start3A_67, %dma_start3A_68] : memref<4x80xi32, #tpu.memory_space<vmem>> -> memref<1x80xi32, #tpu.memory_space<vmem>>
    %dma_start3A_70 = tpu.memref_squeeze %dma_start3A_69 : memref<1x80xi32, #tpu.memory_space<vmem>> -> memref<80xi32, #tpu.memory_space<vmem>>
    %dma_start3A_71 = tpu.memref_slice %arg4[%multiple_of3A_66] : memref<320000xi32, #tpu.memory_space<hbm>> -> memref<80xi32, #tpu.memory_space<hbm>>
    %dma_start3A_72 = arith.constant 0 : i32
    %dma_start3A_73 = tpu.memref_slice %arg9[%dma_start3A_67, %dma_start3A_72] : memref<4x80xi32, #tpu.memory_space<vmem>> -> memref<1x80xi32, #tpu.memory_space<vmem>>
    %dma_start3A_74 = tpu.memref_squeeze %dma_start3A_73 : memref<1x80xi32, #tpu.memory_space<vmem>> -> memref<80xi32, #tpu.memory_space<vmem>>
    %dma_start3A_75 = tpu.memref_slice %arg4[%multiple_of3A_66] : memref<320000xi32, #tpu.memory_space<hbm>> -> memref<80xi32, #tpu.memory_space<hbm>>
    tpu.enqueue_dma source(%dma_start3A_75 : memref<80xi32, #tpu.memory_space<hbm>>) target(%dma_start3A_74 : memref<80xi32, #tpu.memory_space<vmem>>) target_semaphore(%arg10 : memref<!tpu.dma_semaphore, #tpu.memory_space<semaphore_mem>>)
    %dma_wait3A = arith.constant 0 : i32
    %dma_wait3A_76 = arith.constant 0 : i32
    %dma_wait3A_77 = tpu.memref_slice %arg8[%dma_wait3A, %dma_wait3A_76] : memref<4x80xi32, #tpu.memory_space<vmem>> -> memref<1x80xi32, #tpu.memory_space<vmem>>
    %dma_wait3A_78 = tpu.memref_squeeze %dma_wait3A_77 : memref<1x80xi32, #tpu.memory_space<vmem>> -> memref<80xi32, #tpu.memory_space<vmem>>
    %dma_wait3A_79 = tpu.memref_slice %arg3[%multiple_of3A_22] : memref<640000xi32, #tpu.memory_space<hbm>> -> memref<80xi32, #tpu.memory_space<hbm>>
    %dma_wait3A_80 = arith.constant 0 : i32
    %dma_wait3A_81 = tpu.memref_slice %arg8[%dma_wait3A, %dma_wait3A_80] : memref<4x80xi32, #tpu.memory_space<vmem>> -> memref<1x80xi32, #tpu.memory_space<vmem>>
    %dma_wait3A_82 = tpu.memref_squeeze %dma_wait3A_81 : memref<1x80xi32, #tpu.memory_space<vmem>> -> memref<80xi32, #tpu.memory_space<vmem>>
    %dma_wait3A_83 = tpu.memref_slice %arg3[%multiple_of3A_22] : memref<640000xi32, #tpu.memory_space<hbm>> -> memref<80xi32, #tpu.memory_space<hbm>>
    tpu.wait_dma2 semaphore(%arg10 : memref<!tpu.dma_semaphore, #tpu.memory_space<semaphore_mem>>) src(%dma_wait3A_83 : memref<80xi32, #tpu.memory_space<hbm>>) dst(%dma_wait3A_82 : memref<80xi32, #tpu.memory_space<vmem>>)
    %dma_start3A_84 = arith.constant 0 : i32
    %dma_start3A_85 = arith.constant 0 : i32
    %dma_start3A_86 = arith.constant 0 : i32
    %dma_start3A_87 = arith.constant 0 : i32
    %dma_start3A_88 = tpu.memref_slice %arg7[%dma_start3A_85, %dma_start3A_86, %dma_start3A_87] : memref<4x80x128xf32, #tpu.memory_space<vmem>> -> memref<1x80x128xf32, #tpu.memory_space<vmem>>
    %dma_start3A_89 = tpu.memref_squeeze %dma_start3A_88 : memref<1x80x128xf32, #tpu.memory_space<vmem>> -> memref<80x128xf32, #tpu.memory_space<vmem>>
    %dma_start3A_90 = arith.constant 0 : i32
    %dma_start3A_91 = tpu.memref_slice %arg8[%dma_start3A_84, %dma_start3A_90] : memref<4x80xi32, #tpu.memory_space<vmem>> -> memref<1x80xi32, #tpu.memory_space<vmem>>
    %dma_start3A_92 = tpu.memref_squeeze %dma_start3A_91 : memref<1x80xi32, #tpu.memory_space<vmem>> -> memref<80xi32, #tpu.memory_space<vmem>>
    %dma_start3A_93 = arith.constant 0 : i32
    %dma_start3A_94 = arith.constant 0 : i32
    %dma_start3A_95 = tpu.memref_slice %arg2[%dma_start3A_93, %dma_start3A_94] : memref<20480x128xf32, #tpu.memory_space<hbm>> -> memref<20480x128xf32, #tpu.memory_space<hbm>>
    tpu.enqueue_indirect_dma source(%dma_start3A_95 : memref<20480x128xf32, #tpu.memory_space<hbm>>) target(%dma_start3A_89 : memref<80x128xf32, #tpu.memory_space<vmem>>) offsets(%dma_start3A_92 : memref<80xi32, #tpu.memory_space<vmem>>) semaphore(%arg11 : memref<!tpu.dma_semaphore, #tpu.memory_space<semaphore_mem>>)
    %dma_wait3A_96 = arith.constant 1 : i32
    %dma_wait3A_97 = arith.constant 0 : i32
    %dma_wait3A_98 = tpu.memref_slice %arg8[%dma_wait3A_96, %dma_wait3A_97] : memref<4x80xi32, #tpu.memory_space<vmem>> -> memref<1x80xi32, #tpu.memory_space<vmem>>
    %dma_wait3A_99 = tpu.memref_squeeze %dma_wait3A_98 : memref<1x80xi32, #tpu.memory_space<vmem>> -> memref<80xi32, #tpu.memory_space<vmem>>
    %dma_wait3A_100 = tpu.memref_slice %arg3[%multiple_of3A_38] : memref<640000xi32, #tpu.memory_space<hbm>> -> memref<80xi32, #tpu.memory_space<hbm>>
    %dma_wait3A_101 = arith.constant 0 : i32
    %dma_wait3A_102 = tpu.memref_slice %arg8[%dma_wait3A_96, %dma_wait3A_101] : memref<4x80xi32, #tpu.memory_space<vmem>> -> memref<1x80xi32, #tpu.memory_space<vmem>>
    %dma_wait3A_103 = tpu.memref_squeeze %dma_wait3A_102 : memref<1x80xi32, #tpu.memory_space<vmem>> -> memref<80xi32, #tpu.memory_space<vmem>>
    %dma_wait3A_104 = tpu.memref_slice %arg3[%multiple_of3A_38] : memref<640000xi32, #tpu.memory_space<hbm>> -> memref<80xi32, #tpu.memory_space<hbm>>
    tpu.wait_dma2 semaphore(%arg10 : memref<!tpu.dma_semaphore, #tpu.memory_space<semaphore_mem>>) src(%dma_wait3A_104 : memref<80xi32, #tpu.memory_space<hbm>>) dst(%dma_wait3A_103 : memref<80xi32, #tpu.memory_space<vmem>>)
    %dma_start3A_105 = arith.constant 1 : i32
    %dma_start3A_106 = arith.constant 1 : i32
    %dma_start3A_107 = arith.constant 0 : i32
    %dma_start3A_108 = arith.constant 0 : i32
    %dma_start3A_109 = tpu.memref_slice %arg7[%dma_start3A_106, %dma_start3A_107, %dma_start3A_108] : memref<4x80x128xf32, #tpu.memory_space<vmem>> -> memref<1x80x128xf32, #tpu.memory_space<vmem>>
    %dma_start3A_110 = tpu.memref_squeeze %dma_start3A_109 : memref<1x80x128xf32, #tpu.memory_space<vmem>> -> memref<80x128xf32, #tpu.memory_space<vmem>>
    %dma_start3A_111 = arith.constant 0 : i32
    %dma_start3A_112 = tpu.memref_slice %arg8[%dma_start3A_105, %dma_start3A_111] : memref<4x80xi32, #tpu.memory_space<vmem>> -> memref<1x80xi32, #tpu.memory_space<vmem>>
    %dma_start3A_113 = tpu.memref_squeeze %dma_start3A_112 : memref<1x80xi32, #tpu.memory_space<vmem>> -> memref<80xi32, #tpu.memory_space<vmem>>
    %dma_start3A_114 = arith.constant 0 : i32
    %dma_start3A_115 = arith.constant 0 : i32
    %dma_start3A_116 = tpu.memref_slice %arg2[%dma_start3A_114, %dma_start3A_115] : memref<20480x128xf32, #tpu.memory_space<hbm>> -> memref<20480x128xf32, #tpu.memory_space<hbm>>
    tpu.enqueue_indirect_dma source(%dma_start3A_116 : memref<20480x128xf32, #tpu.memory_space<hbm>>) target(%dma_start3A_110 : memref<80x128xf32, #tpu.memory_space<vmem>>) offsets(%dma_start3A_113 : memref<80xi32, #tpu.memory_space<vmem>>) semaphore(%arg11 : memref<!tpu.dma_semaphore, #tpu.memory_space<semaphore_mem>>)
    %dma_wait3A_117 = arith.constant 0 : i32
    %dma_wait3A_118 = arith.constant 0 : i32
    %dma_wait3A_119 = arith.constant 0 : i32
    %dma_wait3A_120 = arith.constant 0 : i32
    %dma_wait3A_121 = tpu.memref_slice %arg7[%dma_wait3A_118, %dma_wait3A_119, %dma_wait3A_120] : memref<4x80x128xf32, #tpu.memory_space<vmem>> -> memref<1x80x128xf32, #tpu.memory_space<vmem>>
    %dma_wait3A_122 = tpu.memref_squeeze %dma_wait3A_121 : memref<1x80x128xf32, #tpu.memory_space<vmem>> -> memref<80x128xf32, #tpu.memory_space<vmem>>
    %dma_wait3A_123 = arith.constant 0 : i32
    %dma_wait3A_124 = tpu.memref_slice %arg8[%dma_wait3A_117, %dma_wait3A_123] : memref<4x80xi32, #tpu.memory_space<vmem>> -> memref<1x80xi32, #tpu.memory_space<vmem>>
    %dma_wait3A_125 = tpu.memref_squeeze %dma_wait3A_124 : memref<1x80xi32, #tpu.memory_space<vmem>> -> memref<80xi32, #tpu.memory_space<vmem>>
    %dma_wait3A_126 = arith.constant 0 : i32
    %dma_wait3A_127 = arith.constant 0 : i32
    %dma_wait3A_128 = tpu.memref_slice %arg2[%dma_wait3A_126, %dma_wait3A_127] : memref<20480x128xf32, #tpu.memory_space<hbm>> -> memref<20480x128xf32, #tpu.memory_space<hbm>>
    tpu.wait_indirect_dma semaphore(%arg11 : memref<!tpu.dma_semaphore, #tpu.memory_space<semaphore_mem>>) src(%dma_wait3A_128 : memref<20480x128xf32, #tpu.memory_space<hbm>>) dst(%dma_wait3A_122 : memref<80x128xf32, #tpu.memory_space<vmem>>)
    %dma_wait3A_129 = arith.constant 0 : i32
    %dma_wait3A_130 = arith.constant 0 : i32
    %dma_wait3A_131 = tpu.memref_slice %arg9[%dma_wait3A_129, %dma_wait3A_130] : memref<4x80xi32, #tpu.memory_space<vmem>> -> memref<1x80xi32, #tpu.memory_space<vmem>>
    %dma_wait3A_132 = tpu.memref_squeeze %dma_wait3A_131 : memref<1x80xi32, #tpu.memory_space<vmem>> -> memref<80xi32, #tpu.memory_space<vmem>>
    %dma_wait3A_133 = tpu.memref_slice %arg4[%multiple_of3A_52] : memref<320000xi32, #tpu.memory_space<hbm>> -> memref<80xi32, #tpu.memory_space<hbm>>
    %dma_wait3A_134 = arith.constant 0 : i32
    %dma_wait3A_135 = tpu.memref_slice %arg9[%dma_wait3A_129, %dma_wait3A_134] : memref<4x80xi32, #tpu.memory_space<vmem>> -> memref<1x80xi32, #tpu.memory_space<vmem>>
    %dma_wait3A_136 = tpu.memref_squeeze %dma_wait3A_135 : memref<1x80xi32, #tpu.memory_space<vmem>> -> memref<80xi32, #tpu.memory_space<vmem>>
    %dma_wait3A_137 = tpu.memref_slice %arg4[%multiple_of3A_52] : memref<320000xi32, #tpu.memory_space<hbm>> -> memref<80xi32, #tpu.memory_space<hbm>>
    tpu.wait_dma2 semaphore(%arg10 : memref<!tpu.dma_semaphore, #tpu.memory_space<semaphore_mem>>) src(%dma_wait3A_137 : memref<80xi32, #tpu.memory_space<hbm>>) dst(%dma_wait3A_136 : memref<80xi32, #tpu.memory_space<vmem>>)
    %dma_start3A_138 = arith.constant 0 : i32
    %dma_start3A_139 = arith.constant 0 : i32
    %dma_start3A_140 = arith.constant 0 : i32
    %dma_start3A_141 = arith.constant 0 : i32
    %dma_start3A_142 = tpu.memref_slice %arg7[%dma_start3A_138, %dma_start3A_140, %dma_start3A_141] : memref<4x80x128xf32, #tpu.memory_space<vmem>> -> memref<1x80x128xf32, #tpu.memory_space<vmem>>
    %dma_start3A_143 = tpu.memref_squeeze %dma_start3A_142 : memref<1x80x128xf32, #tpu.memory_space<vmem>> -> memref<80x128xf32, #tpu.memory_space<vmem>>
    %dma_start3A_144 = arith.constant 0 : i32
    %dma_start3A_145 = tpu.memref_slice %arg9[%dma_start3A_139, %dma_start3A_144] : memref<4x80xi32, #tpu.memory_space<vmem>> -> memref<1x80xi32, #tpu.memory_space<vmem>>
    %dma_start3A_146 = tpu.memref_squeeze %dma_start3A_145 : memref<1x80xi32, #tpu.memory_space<vmem>> -> memref<80xi32, #tpu.memory_space<vmem>>
    %dma_start3A_147 = arith.constant 0 : i32
    %dma_start3A_148 = arith.constant 0 : i32
    %dma_start3A_149 = tpu.memref_slice %arg6[%dma_start3A_147, %dma_start3A_148] : memref<10000x128xf32, #tpu.memory_space<vmem_shared>> -> memref<10000x128xf32, #tpu.memory_space<vmem_shared>>
    tpu.enqueue_indirect_dma source(%dma_start3A_143 : memref<80x128xf32, #tpu.memory_space<vmem>>) target(%dma_start3A_149 : memref<10000x128xf32, #tpu.memory_space<vmem_shared>>) offsets(%dma_start3A_146 : memref<80xi32, #tpu.memory_space<vmem>>) semaphore(%arg12 : memref<!tpu.dma_semaphore, #tpu.memory_space<semaphore_mem>>) {add = true}
    %dma_wait3A_150 = arith.constant 1 : i32
    %dma_wait3A_151 = arith.constant 1 : i32
    %dma_wait3A_152 = arith.constant 0 : i32
    %dma_wait3A_153 = arith.constant 0 : i32
    %dma_wait3A_154 = tpu.memref_slice %arg7[%dma_wait3A_151, %dma_wait3A_152, %dma_wait3A_153] : memref<4x80x128xf32, #tpu.memory_space<vmem>> -> memref<1x80x128xf32, #tpu.memory_space<vmem>>
    %dma_wait3A_155 = tpu.memref_squeeze %dma_wait3A_154 : memref<1x80x128xf32, #tpu.memory_space<vmem>> -> memref<80x128xf32, #tpu.memory_space<vmem>>
    %dma_wait3A_156 = arith.constant 0 : i32
    %dma_wait3A_157 = tpu.memref_slice %arg8[%dma_wait3A_150, %dma_wait3A_156] : memref<4x80xi32, #tpu.memory_space<vmem>> -> memref<1x80xi32, #tpu.memory_space<vmem>>
    %dma_wait3A_158 = tpu.memref_squeeze %dma_wait3A_157 : memref<1x80xi32, #tpu.memory_space<vmem>> -> memref<80xi32, #tpu.memory_space<vmem>>
    %dma_wait3A_159 = arith.constant 0 : i32
    %dma_wait3A_160 = arith.constant 0 : i32
    %dma_wait3A_161 = tpu.memref_slice %arg2[%dma_wait3A_159, %dma_wait3A_160] : memref<20480x128xf32, #tpu.memory_space<hbm>> -> memref<20480x128xf32, #tpu.memory_space<hbm>>
    tpu.wait_indirect_dma semaphore(%arg11 : memref<!tpu.dma_semaphore, #tpu.memory_space<semaphore_mem>>) src(%dma_wait3A_161 : memref<20480x128xf32, #tpu.memory_space<hbm>>) dst(%dma_wait3A_155 : memref<80x128xf32, #tpu.memory_space<vmem>>)
    %dma_wait3A_162 = arith.constant 1 : i32
    %dma_wait3A_163 = arith.constant 0 : i32
    %dma_wait3A_164 = tpu.memref_slice %arg9[%dma_wait3A_162, %dma_wait3A_163] : memref<4x80xi32, #tpu.memory_space<vmem>> -> memref<1x80xi32, #tpu.memory_space<vmem>>
    %dma_wait3A_165 = tpu.memref_squeeze %dma_wait3A_164 : memref<1x80xi32, #tpu.memory_space<vmem>> -> memref<80xi32, #tpu.memory_space<vmem>>
    %dma_wait3A_166 = tpu.memref_slice %arg4[%multiple_of3A_66] : memref<320000xi32, #tpu.memory_space<hbm>> -> memref<80xi32, #tpu.memory_space<hbm>>
    %dma_wait3A_167 = arith.constant 0 : i32
    %dma_wait3A_168 = tpu.memref_slice %arg9[%dma_wait3A_162, %dma_wait3A_167] : memref<4x80xi32, #tpu.memory_space<vmem>> -> memref<1x80xi32, #tpu.memory_space<vmem>>
    %dma_wait3A_169 = tpu.memref_squeeze %dma_wait3A_168 : memref<1x80xi32, #tpu.memory_space<vmem>> -> memref<80xi32, #tpu.memory_space<vmem>>
    %dma_wait3A_170 = tpu.memref_slice %arg4[%multiple_of3A_66] : memref<320000xi32, #tpu.memory_space<hbm>> -> memref<80xi32, #tpu.memory_space<hbm>>
    tpu.wait_dma2 semaphore(%arg10 : memref<!tpu.dma_semaphore, #tpu.memory_space<semaphore_mem>>) src(%dma_wait3A_170 : memref<80xi32, #tpu.memory_space<hbm>>) dst(%dma_wait3A_169 : memref<80xi32, #tpu.memory_space<vmem>>)
    %dma_start3A_171 = arith.constant 1 : i32
    %dma_start3A_172 = arith.constant 1 : i32
    %dma_start3A_173 = arith.constant 0 : i32
    %dma_start3A_174 = arith.constant 0 : i32
    %dma_start3A_175 = tpu.memref_slice %arg7[%dma_start3A_171, %dma_start3A_173, %dma_start3A_174] : memref<4x80x128xf32, #tpu.memory_space<vmem>> -> memref<1x80x128xf32, #tpu.memory_space<vmem>>
    %dma_start3A_176 = tpu.memref_squeeze %dma_start3A_175 : memref<1x80x128xf32, #tpu.memory_space<vmem>> -> memref<80x128xf32, #tpu.memory_space<vmem>>
    %dma_start3A_177 = arith.constant 0 : i32
    %dma_start3A_178 = tpu.memref_slice %arg9[%dma_start3A_172, %dma_start3A_177] : memref<4x80xi32, #tpu.memory_space<vmem>> -> memref<1x80xi32, #tpu.memory_space<vmem>>
    %dma_start3A_179 = tpu.memref_squeeze %dma_start3A_178 : memref<1x80xi32, #tpu.memory_space<vmem>> -> memref<80xi32, #tpu.memory_space<vmem>>
    %dma_start3A_180 = arith.constant 0 : i32
    %dma_start3A_181 = arith.constant 0 : i32
    %dma_start3A_182 = tpu.memref_slice %arg6[%dma_start3A_180, %dma_start3A_181] : memref<10000x128xf32, #tpu.memory_space<vmem_shared>> -> memref<10000x128xf32, #tpu.memory_space<vmem_shared>>
    tpu.enqueue_indirect_dma source(%dma_start3A_176 : memref<80x128xf32, #tpu.memory_space<vmem>>) target(%dma_start3A_182 : memref<10000x128xf32, #tpu.memory_space<vmem_shared>>) offsets(%dma_start3A_179 : memref<80xi32, #tpu.memory_space<vmem>>) semaphore(%arg12 : memref<!tpu.dma_semaphore, #tpu.memory_space<semaphore_mem>>) {add = true}
    %dma_wait3A_183 = arith.constant 0 : i32
    %dma_wait3A_184 = arith.constant 0 : i32
    %dma_wait3A_185 = arith.constant 0 : i32
    %dma_wait3A_186 = arith.constant 0 : i32
    %dma_wait3A_187 = tpu.memref_slice %arg7[%dma_wait3A_183, %dma_wait3A_185, %dma_wait3A_186] : memref<4x80x128xf32, #tpu.memory_space<vmem>> -> memref<1x80x128xf32, #tpu.memory_space<vmem>>
    %dma_wait3A_188 = tpu.memref_squeeze %dma_wait3A_187 : memref<1x80x128xf32, #tpu.memory_space<vmem>> -> memref<80x128xf32, #tpu.memory_space<vmem>>
    %dma_wait3A_189 = arith.constant 0 : i32
    %dma_wait3A_190 = tpu.memref_slice %arg9[%dma_wait3A_184, %dma_wait3A_189] : memref<4x80xi32, #tpu.memory_space<vmem>> -> memref<1x80xi32, #tpu.memory_space<vmem>>
    %dma_wait3A_191 = tpu.memref_squeeze %dma_wait3A_190 : memref<1x80xi32, #tpu.memory_space<vmem>> -> memref<80xi32, #tpu.memory_space<vmem>>
    %dma_wait3A_192 = arith.constant 0 : i32
    %dma_wait3A_193 = arith.constant 0 : i32
    %dma_wait3A_194 = tpu.memref_slice %arg6[%dma_wait3A_192, %dma_wait3A_193] : memref<10000x128xf32, #tpu.memory_space<vmem_shared>> -> memref<10000x128xf32, #tpu.memory_space<vmem_shared>>
    tpu.wait_indirect_dma semaphore(%arg12 : memref<!tpu.dma_semaphore, #tpu.memory_space<semaphore_mem>>) src(%dma_wait3A_188 : memref<80x128xf32, #tpu.memory_space<vmem>>) dst(%dma_wait3A_194 : memref<10000x128xf32, #tpu.memory_space<vmem_shared>>)
    %dma_wait3A_195 = arith.constant 1 : i32
    %dma_wait3A_196 = arith.constant 1 : i32
    %dma_wait3A_197 = arith.constant 0 : i32
    %dma_wait3A_198 = arith.constant 0 : i32
    %dma_wait3A_199 = tpu.memref_slice %arg7[%dma_wait3A_195, %dma_wait3A_197, %dma_wait3A_198] : memref<4x80x128xf32, #tpu.memory_space<vmem>> -> memref<1x80x128xf32, #tpu.memory_space<vmem>>
    %dma_wait3A_200 = tpu.memref_squeeze %dma_wait3A_199 : memref<1x80x128xf32, #tpu.memory_space<vmem>> -> memref<80x128xf32, #tpu.memory_space<vmem>>
    %dma_wait3A_201 = arith.constant 0 : i32
    %dma_wait3A_202 = tpu.memref_slice %arg9[%dma_wait3A_196, %dma_wait3A_201] : memref<4x80xi32, #tpu.memory_space<vmem>> -> memref<1x80xi32, #tpu.memory_space<vmem>>
    %dma_wait3A_203 = tpu.memref_squeeze %dma_wait3A_202 : memref<1x80xi32, #tpu.memory_space<vmem>> -> memref<80xi32, #tpu.memory_space<vmem>>
    %dma_wait3A_204 = arith.constant 0 : i32
    %dma_wait3A_205 = arith.constant 0 : i32
    %dma_wait3A_206 = tpu.memref_slice %arg6[%dma_wait3A_204, %dma_wait3A_205] : memref<10000x128xf32, #tpu.memory_space<vmem_shared>> -> memref<10000x128xf32, #tpu.memory_space<vmem_shared>>
    tpu.wait_indirect_dma semaphore(%arg12 : memref<!tpu.dma_semaphore, #tpu.memory_space<semaphore_mem>>) src(%dma_wait3A_200 : memref<80x128xf32, #tpu.memory_space<vmem>>) dst(%dma_wait3A_206 : memref<10000x128xf32, #tpu.memory_space<vmem_shared>>)
    %barrier3A_207 = arith.constant 0 : index
    tpu.barrier barrier_id(%barrier3A_207)
    %add3A_208 = arith.addi %mul3A_0, %multiple_of3A : i32
    %multiple_of3A_209 = tpu.assume_multiple %add3A_208, 8 : i32
    "tpu.region"() ({
      %run_scoped3A = tpu.sem_alloc : memref<!tpu.dma_semaphore, #tpu.memory_space<semaphore_mem>>
      %dma_start3A_215 = arith.constant 0 : i32
      %dma_start3A_216 = tpu.memref_slice %arg5[%multiple_of3A_209, %dma_start3A_215] : memref<20480x128xf32, #tpu.memory_space<hbm>> -> memref<624x128xf32, #tpu.memory_space<hbm>>
      %dma_start3A_217 = arith.constant 0 : i32
      %dma_start3A_218 = tpu.memref_slice %arg6[%multiple_of3A, %dma_start3A_217] : memref<10000x128xf32, #tpu.memory_space<vmem_shared>> -> memref<624x128xf32, #tpu.memory_space<vmem_shared>>
      tpu.enqueue_dma source(%dma_start3A_218 : memref<624x128xf32, #tpu.memory_space<vmem_shared>>) target(%dma_start3A_216 : memref<624x128xf32, #tpu.memory_space<hbm>>) target_semaphore(%run_scoped3A : memref<!tpu.dma_semaphore, #tpu.memory_space<semaphore_mem>>)
      %dma_wait3A_219 = arith.constant 0 : i32
      %dma_wait3A_220 = tpu.memref_slice %arg5[%multiple_of3A_209, %dma_wait3A_219] : memref<20480x128xf32, #tpu.memory_space<hbm>> -> memref<624x128xf32, #tpu.memory_space<hbm>>
      %dma_wait3A_221 = arith.constant 0 : i32
      %dma_wait3A_222 = tpu.memref_slice %arg6[%multiple_of3A, %dma_wait3A_221] : memref<10000x128xf32, #tpu.memory_space<vmem_shared>> -> memref<624x128xf32, #tpu.memory_space<vmem_shared>>
      tpu.wait_dma2 semaphore(%run_scoped3A : memref<!tpu.dma_semaphore, #tpu.memory_space<semaphore_mem>>) src(%dma_wait3A_222 : memref<624x128xf32, #tpu.memory_space<vmem_shared>>) dst(%dma_wait3A_220 : memref<624x128xf32, #tpu.memory_space<hbm>>)
      tpu.yield
    }) : () -> ()
    %eq3A_210 = arith.constant 15 : i32
    %eq3A_211 = arith.cmpi eq, %arg1, %eq3A_210 : i32
    %convert_element_type3A_212 = arith.extui %eq3A_211 : i1 to i32
    %cond3A_213 = arith.constant 0 : i32
    %cond3A_214 = arith.cmpi ne, %convert_element_type3A_212, %cond3A_213 : i32
    scf.if %cond3A_214 {
      %multiple_of3A_215 = arith.constant 9984 : i32
      %multiple_of3A_216 = tpu.assume_multiple %multiple_of3A_215, 8 : i32
      %add3A_217 = arith.constant 9984 : i32
      %add3A_218 = arith.addi %mul3A_0, %add3A_217 : i32
      %multiple_of3A_219 = tpu.assume_multiple %add3A_218, 8 : i32
      "tpu.region"() ({
        %run_scoped3A = tpu.sem_alloc : memref<!tpu.dma_semaphore, #tpu.memory_space<semaphore_mem>>
        %dma_start3A_220 = arith.constant 0 : i32
        %dma_start3A_221 = tpu.memref_slice %arg5[%multiple_of3A_219, %dma_start3A_220] : memref<20480x128xf32, #tpu.memory_space<hbm>> -> memref<16x128xf32, #tpu.memory_space<hbm>>
        %dma_start3A_222 = arith.constant 0 : i32
        %dma_start3A_223 = tpu.memref_slice %arg6[%multiple_of3A_216, %dma_start3A_222] : memref<10000x128xf32, #tpu.memory_space<vmem_shared>> -> memref<16x128xf32, #tpu.memory_space<vmem_shared>>
        tpu.enqueue_dma source(%dma_start3A_223 : memref<16x128xf32, #tpu.memory_space<vmem_shared>>) target(%dma_start3A_221 : memref<16x128xf32, #tpu.memory_space<hbm>>) target_semaphore(%run_scoped3A : memref<!tpu.dma_semaphore, #tpu.memory_space<semaphore_mem>>)
        %dma_wait3A_224 = arith.constant 0 : i32
        %dma_wait3A_225 = tpu.memref_slice %arg5[%multiple_of3A_219, %dma_wait3A_224] : memref<20480x128xf32, #tpu.memory_space<hbm>> -> memref<16x128xf32, #tpu.memory_space<hbm>>
        %dma_wait3A_226 = arith.constant 0 : i32
        %dma_wait3A_227 = tpu.memref_slice %arg6[%multiple_of3A_216, %dma_wait3A_226] : memref<10000x128xf32, #tpu.memory_space<vmem_shared>> -> memref<16x128xf32, #tpu.memory_space<vmem_shared>>
        tpu.wait_dma2 semaphore(%run_scoped3A : memref<!tpu.dma_semaphore, #tpu.memory_space<semaphore_mem>>) src(%dma_wait3A_227 : memref<16x128xf32, #tpu.memory_space<vmem_shared>>) dst(%dma_wait3A_225 : memref<16x128xf32, #tpu.memory_space<hbm>>)
        tpu.yield
      }) : () -> ()
    } else {
    }
    return
  }
}

module attributes {stable_mosaic.version = 14 : i64} {
  func.func @_dense_body(%arg0: i32, %arg1: memref<1024x128xf32, #tpu.memory_space<vmem>>, %arg2: memref<128x128xf32, #tpu.memory_space<vmem>>, %arg3: memref<128x128xf32, #tpu.memory_space<vmem>>, %arg4: memref<128x128xf32, #tpu.memory_space<vmem>>, %arg5: memref<1x128xf32, #tpu.memory_space<vmem>>, %arg6: memref<1x128xf32, #tpu.memory_space<vmem>>, %arg7: memref<1x128xf32, #tpu.memory_space<vmem>>, %arg8: memref<32x1024xf32, #tpu.memory_space<vmem>>, %arg9: memref<2x1024x128xf32, #tpu.memory_space<vmem>>, %arg10: memref<1024x128xf32, #tpu.memory_space<vmem>>, %arg11: memref<1024x128xf32, #tpu.memory_space<vmem>>) attributes {dimension_semantics = [#tpu.dimension_semantics<arbitrary>], iteration_bounds = array<i64: 10>, scalar_prefetch = 0 : i64, scratch_operands = 0 : i64, tpu.core_type = #tpu.core_type<tc>, window_params = [{transform_indices = @transform_0, window_bounds = array<i64: 1024, 128>}, {pipeline_mode = #tpu.pipeline_mode<synchronous>, transform_indices = @transform_1, window_bounds = array<i64: 128, 128>}, {pipeline_mode = #tpu.pipeline_mode<synchronous>, transform_indices = @transform_2, window_bounds = array<i64: 128, 128>}, {pipeline_mode = #tpu.pipeline_mode<synchronous>, transform_indices = @transform_3, window_bounds = array<i64: 128, 128>}, {pipeline_mode = #tpu.pipeline_mode<synchronous>, transform_indices = @transform_4, window_bounds = array<i64: 1, 128>}, {pipeline_mode = #tpu.pipeline_mode<synchronous>, transform_indices = @transform_5, window_bounds = array<i64: 1, 128>}, {pipeline_mode = #tpu.pipeline_mode<synchronous>, transform_indices = @transform_6, window_bounds = array<i64: 1, 128>}, {transform_indices = @transform_7, window_bounds = array<i64: 32, 1024>}, {transform_indices = @transform_8, window_bounds = array<i64: 2, 1024, 128>}, {transform_indices = @transform_9, window_bounds = array<i64: 1024, 128>}, {transform_indices = @transform_10, window_bounds = array<i64: 1024, 128>}]} {
    %broadcast_in_dim3A = arith.constant 1.000000e+00 : f32
    %broadcast_in_dim3A_0 = vector.broadcast %broadcast_in_dim3A : f32 to vector<32x1xf32>
    %get3A = arith.constant 0 : index
    %get3A_1 = arith.constant 0 : index
    %get3A_2 = vector.load %arg8[%get3A, %get3A_1] : memref<32x1024xf32, #tpu.memory_space<vmem>>, vector<32x1024xf32>
    %dot_general3A = arith.constant dense<0.000000e+00> : vector<1024x1xf32>
    %dot_general3A_3 = tpu.matmul %get3A_2, %broadcast_in_dim3A_0, %dot_general3A {dimension_numbers = #tpu.dot_dimension_numbers<[0], [0], [1], [1], [0, 1, 1, 1], [], []>, transpose_lhs_hint = false} : vector<32x1024xf32>, vector<32x1xf32>, vector<1024x1xf32> -> vector<1024x1xf32>
    %add3A = arith.constant 1.000000e+00 : f32
    %add3A_4 = vector.broadcast %add3A : f32 to vector<1024x1xf32>
    %add3A_5 = arith.addf %dot_general3A_3, %add3A_4 : vector<1024x1xf32>
    %rsqrt3A = math.rsqrt %add3A_5 : vector<1024x1xf32>
    %get3A_6 = arith.constant 0 : index
    %get3A_7 = arith.constant 0 : index
    %get3A_8 = vector.load %arg1[%get3A_6, %get3A_7] : memref<1024x128xf32, #tpu.memory_space<vmem>>, vector<1024x128xf32>
    %get3A_9 = arith.constant 0 : index
    %get3A_10 = arith.constant 0 : index
    %get3A_11 = vector.load %arg2[%get3A_9, %get3A_10] : memref<128x128xf32, #tpu.memory_space<vmem>>, vector<128x128xf32>
    %dot_general3A_12 = arith.constant dense<0.000000e+00> : vector<1024x128xf32>
    %dot_general3A_13 = tpu.matmul %get3A_8, %get3A_11, %dot_general3A_12 {dimension_numbers = #tpu.dot_dimension_numbers<[1], [0], [0], [1], [0, 0, 1, 1], [], []>, transpose_lhs_hint = false} : vector<1024x128xf32>, vector<128x128xf32>, vector<1024x128xf32> -> vector<1024x128xf32>
    %get3A_14 = arith.constant 0 : index
    %get3A_15 = arith.constant 0 : index
    %get3A_16 = vector.load %arg5[%get3A_14, %get3A_15] : memref<1x128xf32, #tpu.memory_space<vmem>>, vector<1x128xf32>
    %add3A_17 = vector.broadcast %get3A_16 : vector<1x128xf32> to vector<1024x128xf32>
    %add3A_18 = arith.addf %dot_general3A_13, %add3A_17 : vector<1024x128xf32>
    %get3A_19 = arith.constant 0 : index
    %get3A_20 = arith.constant 0 : index
    %get3A_21 = vector.load %arg3[%get3A_19, %get3A_20] : memref<128x128xf32, #tpu.memory_space<vmem>>, vector<128x128xf32>
    %dot_general3A_22 = arith.constant dense<0.000000e+00> : vector<1024x128xf32>
    %dot_general3A_23 = tpu.matmul %get3A_8, %get3A_21, %dot_general3A_22 {dimension_numbers = #tpu.dot_dimension_numbers<[1], [0], [0], [1], [0, 0, 1, 1], [], []>, transpose_lhs_hint = false} : vector<1024x128xf32>, vector<128x128xf32>, vector<1024x128xf32> -> vector<1024x128xf32>
    %get3A_24 = arith.constant 0 : index
    %get3A_25 = arith.constant 0 : index
    %get3A_26 = vector.load %arg6[%get3A_24, %get3A_25] : memref<1x128xf32, #tpu.memory_space<vmem>>, vector<1x128xf32>
    %add3A_27 = vector.broadcast %get3A_26 : vector<1x128xf32> to vector<1024x128xf32>
    %add3A_28 = arith.addf %dot_general3A_23, %add3A_27 : vector<1024x128xf32>
    %get3A_29 = arith.constant 0 : index
    %get3A_30 = arith.constant 0 : index
    %get3A_31 = vector.load %arg4[%get3A_29, %get3A_30] : memref<128x128xf32, #tpu.memory_space<vmem>>, vector<128x128xf32>
    %dot_general3A_32 = arith.constant dense<0.000000e+00> : vector<1024x128xf32>
    %dot_general3A_33 = tpu.matmul %get3A_8, %get3A_31, %dot_general3A_32 {dimension_numbers = #tpu.dot_dimension_numbers<[1], [0], [0], [1], [0, 0, 1, 1], [], []>, transpose_lhs_hint = false} : vector<1024x128xf32>, vector<128x128xf32>, vector<1024x128xf32> -> vector<1024x128xf32>
    %get3A_34 = arith.constant 0 : index
    %get3A_35 = arith.constant 0 : index
    %get3A_36 = vector.load %arg7[%get3A_34, %get3A_35] : memref<1x128xf32, #tpu.memory_space<vmem>>, vector<1x128xf32>
    %add3A_37 = vector.broadcast %get3A_36 : vector<1x128xf32> to vector<1024x128xf32>
    %add3A_38 = arith.addf %dot_general3A_33, %add3A_37 : vector<1024x128xf32>
    %mul3A = vector.broadcast %rsqrt3A : vector<1024x1xf32> to vector<1024x128xf32>
    %mul3A_39 = arith.mulf %mul3A, %add3A_18 : vector<1024x128xf32>
    %swap3A = arith.constant 0 : index
    %swap3A_40 = arith.constant 0 : index
    %swap3A_41 = arith.constant 0 : index
    %swap3A_42 = vector.load %arg9[%swap3A, %swap3A_40, %swap3A_41] : memref<2x1024x128xf32, #tpu.memory_space<vmem>>, vector<1x1024x128xf32>
    %swap3A_43 = vector.shape_cast %swap3A_42 : vector<1x1024x128xf32> to vector<1024x128xf32>
    %swap3A_44 = vector.shape_cast %mul3A_39 : vector<1024x128xf32> to vector<1x1024x128xf32>
    tpu.vector_store %arg9[%swap3A, %swap3A_40, %swap3A_41], %swap3A_44 {strides = array<i32>} : memref<2x1024x128xf32, #tpu.memory_space<vmem>>, vector<1x1024x128xf32>,
    %mul3A_45 = vector.broadcast %rsqrt3A : vector<1024x1xf32> to vector<1024x128xf32>
    %mul3A_46 = arith.mulf %mul3A_45, %add3A_28 : vector<1024x128xf32>
    %swap3A_47 = arith.constant 1 : index
    %swap3A_48 = arith.constant 0 : index
    %swap3A_49 = arith.constant 0 : index
    %swap3A_50 = vector.load %arg9[%swap3A_47, %swap3A_48, %swap3A_49] : memref<2x1024x128xf32, #tpu.memory_space<vmem>>, vector<1x1024x128xf32>
    %swap3A_51 = vector.shape_cast %swap3A_50 : vector<1x1024x128xf32> to vector<1024x128xf32>
    %swap3A_52 = vector.shape_cast %mul3A_46 : vector<1024x128xf32> to vector<1x1024x128xf32>
    tpu.vector_store %arg9[%swap3A_47, %swap3A_48, %swap3A_49], %swap3A_52 {strides = array<i32>} : memref<2x1024x128xf32, #tpu.memory_space<vmem>>, vector<1x1024x128xf32>,
    %swap3A_53 = arith.constant 0 : index
    %swap3A_54 = arith.constant 0 : index
    %swap3A_55 = vector.load %arg10[%swap3A_53, %swap3A_54] : memref<1024x128xf32, #tpu.memory_space<vmem>>, vector<1024x128xf32>
    tpu.vector_store %arg10[%swap3A_53, %swap3A_54], %add3A_28 {strides = array<i32>} : memref<1024x128xf32, #tpu.memory_space<vmem>>, vector<1024x128xf32>,
    %max3A = arith.constant 0.000000e+00 : f32
    %max3A_56 = vector.broadcast %max3A : f32 to vector<1024x128xf32>
    %max3A_57 = arith.maximumf %add3A_38, %max3A_56 : vector<1024x128xf32>
    %swap3A_58 = arith.constant 0 : index
    %swap3A_59 = arith.constant 0 : index
    %swap3A_60 = vector.load %arg11[%swap3A_58, %swap3A_59] : memref<1024x128xf32, #tpu.memory_space<vmem>>, vector<1024x128xf32>
    tpu.vector_store %arg11[%swap3A_58, %swap3A_59], %max3A_57 {strides = array<i32>} : memref<1024x128xf32, #tpu.memory_space<vmem>>, vector<1024x128xf32>,
    return
  }
  func.func @transform_0(%arg0: i32) -> (i32, i32) {
    %c0_i32 = arith.constant 0 : i32
    %c0_i32_0 = arith.constant 0 : i32
    return %arg0, %c0_i32 : i32, i32
  }
  func.func @transform_1(%arg0: i32) -> (i32, i32) {
    %c0_i32 = arith.constant 0 : i32
    %c0_i32_0 = arith.constant 0 : i32
    %c0_i32_1 = arith.constant 0 : i32
    return %c0_i32, %c0_i32_0 : i32, i32
  }
  func.func @transform_2(%arg0: i32) -> (i32, i32) {
    %c0_i32 = arith.constant 0 : i32
    %c0_i32_0 = arith.constant 0 : i32
    %c0_i32_1 = arith.constant 0 : i32
    return %c0_i32, %c0_i32_0 : i32, i32
  }
  func.func @transform_3(%arg0: i32) -> (i32, i32) {
    %c0_i32 = arith.constant 0 : i32
    %c0_i32_0 = arith.constant 0 : i32
    %c0_i32_1 = arith.constant 0 : i32
    return %c0_i32, %c0_i32_0 : i32, i32
  }
  func.func @transform_4(%arg0: i32) -> (i32, i32) {
    %c0_i32 = arith.constant 0 : i32
    %c0_i32_0 = arith.constant 0 : i32
    %c0_i32_1 = arith.constant 0 : i32
    return %c0_i32, %c0_i32_0 : i32, i32
  }
  func.func @transform_5(%arg0: i32) -> (i32, i32) {
    %c0_i32 = arith.constant 0 : i32
    %c0_i32_0 = arith.constant 0 : i32
    %c0_i32_1 = arith.constant 0 : i32
    return %c0_i32, %c0_i32_0 : i32, i32
  }
  func.func @transform_6(%arg0: i32) -> (i32, i32) {
    %c0_i32 = arith.constant 0 : i32
    %c0_i32_0 = arith.constant 0 : i32
    %c0_i32_1 = arith.constant 0 : i32
    return %c0_i32, %c0_i32_0 : i32, i32
  }
  func.func @transform_7(%arg0: i32) -> (i32, i32) {
    %c0_i32 = arith.constant 0 : i32
    %c0_i32_0 = arith.constant 0 : i32
    return %c0_i32, %arg0 : i32, i32
  }
  func.func @transform_8(%arg0: i32) -> (i32, i32, i32) {
    %c0_i32 = arith.constant 0 : i32
    %c0_i32_0 = arith.constant 0 : i32
    %c0_i32_1 = arith.constant 0 : i32
    return %c0_i32, %arg0, %c0_i32_0 : i32, i32, i32
  }
  func.func @transform_9(%arg0: i32) -> (i32, i32) {
    %c0_i32 = arith.constant 0 : i32
    %c0_i32_0 = arith.constant 0 : i32
    return %arg0, %c0_i32 : i32, i32
  }
  func.func @transform_10(%arg0: i32) -> (i32, i32) {
    %c0_i32 = arith.constant 0 : i32
    %c0_i32_0 = arith.constant 0 : i32
    return %arg0, %c0_i32 : i32, i32
  }
}

module attributes {stable_mosaic.version = 14 : i64} {
  func.func @_epi_body(%arg0: i32, %arg1: memref<2x1024x128xf32, #tpu.memory_space<vmem>>, %arg2: memref<1024x128xf32, #tpu.memory_space<vmem>>, %arg3: memref<1024x128xf32, #tpu.memory_space<vmem>>, %arg4: memref<32x1024xf32, #tpu.memory_space<vmem>>, %arg5: memref<3x128xf32, #tpu.memory_space<vmem>>, %arg6: memref<3x128xf32, #tpu.memory_space<vmem>>, %arg7: memref<1024x128xf32, #tpu.memory_space<vmem>>) attributes {dimension_semantics = [#tpu.dimension_semantics<arbitrary>], iteration_bounds = array<i64: 10>, scalar_prefetch = 0 : i64, scratch_operands = 0 : i64, tpu.core_type = #tpu.core_type<tc>, window_params = [{transform_indices = @transform_0, window_bounds = array<i64: 2, 1024, 128>}, {transform_indices = @transform_1, window_bounds = array<i64: 1024, 128>}, {transform_indices = @transform_2, window_bounds = array<i64: 1024, 128>}, {transform_indices = @transform_3, window_bounds = array<i64: 32, 1024>}, {pipeline_mode = #tpu.pipeline_mode<synchronous>, transform_indices = @transform_4, window_bounds = array<i64: 3, 128>}, {pipeline_mode = #tpu.pipeline_mode<synchronous>, transform_indices = @transform_5, window_bounds = array<i64: 3, 128>}, {transform_indices = @transform_6, window_bounds = array<i64: 1024, 128>}]} {
    %broadcast_in_dim3A = arith.constant 1.000000e+00 : f32
    %broadcast_in_dim3A_0 = vector.broadcast %broadcast_in_dim3A : f32 to vector<32x1xf32>
    %get3A = arith.constant 0 : index
    %get3A_1 = arith.constant 0 : index
    %get3A_2 = vector.load %arg4[%get3A, %get3A_1] : memref<32x1024xf32, #tpu.memory_space<vmem>>, vector<32x1024xf32>
    %dot_general3A = arith.constant dense<0.000000e+00> : vector<1024x1xf32>
    %dot_general3A_3 = tpu.matmul %get3A_2, %broadcast_in_dim3A_0, %dot_general3A {dimension_numbers = #tpu.dot_dimension_numbers<[0], [0], [1], [1], [0, 1, 1, 1], [], []>, transpose_lhs_hint = false} : vector<32x1024xf32>, vector<32x1xf32>, vector<1024x1xf32> -> vector<1024x1xf32>
    %add3A = arith.constant 1.000000e+00 : f32
    %add3A_4 = vector.broadcast %add3A : f32 to vector<1024x1xf32>
    %add3A_5 = arith.addf %dot_general3A_3, %add3A_4 : vector<1024x1xf32>
    %rsqrt3A = math.rsqrt %add3A_5 : vector<1024x1xf32>
    %get3A_6 = arith.constant 0 : index
    %get3A_7 = arith.constant 0 : index
    %get3A_8 = arith.constant 0 : index
    %get3A_9 = vector.load %arg1[%get3A_6, %get3A_7, %get3A_8] : memref<2x1024x128xf32, #tpu.memory_space<vmem>>, vector<2x1024x128xf32>
    %slice3A = vector.extract_strided_slice %get3A_9 {offsets = [0, 0, 0], sizes = [1, 1024, 128], strides = [1, 1, 1]} : vector<2x1024x128xf32> to vector<1x1024x128xf32>
    %squeeze3A = vector.shape_cast %slice3A : vector<1x1024x128xf32> to vector<1024x128xf32>
    %mul3A = vector.broadcast %rsqrt3A : vector<1024x1xf32> to vector<1024x128xf32>
    %mul3A_10 = arith.mulf %mul3A, %squeeze3A : vector<1024x128xf32>
    %max3A = arith.constant 0.000000e+00 : f32
    %max3A_11 = vector.broadcast %max3A : f32 to vector<1024x128xf32>
    %max3A_12 = arith.maximumf %mul3A_10, %max3A_11 : vector<1024x128xf32>
    %get3A_13 = arith.constant 0 : index
    %get3A_14 = arith.constant 0 : index
    %get3A_15 = vector.load %arg2[%get3A_13, %get3A_14] : memref<1024x128xf32, #tpu.memory_space<vmem>>, vector<1024x128xf32>
    %slice3A_16 = vector.extract_strided_slice %get3A_9 {offsets = [1, 0, 0], sizes = [1, 1024, 128], strides = [1, 1, 1]} : vector<2x1024x128xf32> to vector<1x1024x128xf32>
    %squeeze3A_17 = vector.shape_cast %slice3A_16 : vector<1x1024x128xf32> to vector<1024x128xf32>
    %mul3A_18 = vector.broadcast %rsqrt3A : vector<1024x1xf32> to vector<1024x128xf32>
    %mul3A_19 = arith.mulf %mul3A_18, %squeeze3A_17 : vector<1024x128xf32>
    %sub3A = arith.subf %get3A_15, %mul3A_19 : vector<1024x128xf32>
    %max3A_20 = arith.constant 0.000000e+00 : f32
    %max3A_21 = vector.broadcast %max3A_20 : f32 to vector<1024x128xf32>
    %max3A_22 = arith.maximumf %sub3A, %max3A_21 : vector<1024x128xf32>
    %get3A_23 = arith.constant 0 : index
    %get3A_24 = arith.constant 0 : index
    %get3A_25 = vector.load %arg3[%get3A_23, %get3A_24] : memref<1024x128xf32, #tpu.memory_space<vmem>>, vector<1024x128xf32>
    %get3A_26 = arith.constant 0 : index
    %get3A_27 = arith.constant 0 : index
    %get3A_28 = vector.load %arg5[%get3A_26, %get3A_27] : memref<3x128xf32, #tpu.memory_space<vmem>>, vector<3x128xf32>
    %get3A_29 = arith.constant 0 : index
    %get3A_30 = arith.constant 0 : index
    %get3A_31 = vector.load %arg6[%get3A_29, %get3A_30] : memref<3x128xf32, #tpu.memory_space<vmem>>, vector<3x128xf32>
    %slice3A_32 = vector.extract_strided_slice %get3A_28 {offsets = [0, 0], sizes = [1, 128], strides = [1, 1]} : vector<3x128xf32> to vector<1x128xf32>
    %mul3A_33 = vector.broadcast %slice3A_32 : vector<1x128xf32> to vector<1024x128xf32>
    %mul3A_34 = arith.mulf %max3A_22, %mul3A_33 : vector<1024x128xf32>
    %reduce_sum3A = arith.constant dense<0.000000e+00> : vector<1024xf32>
    %reduce_sum3A_35 = vector.multi_reduction <add>, %mul3A_34, %reduce_sum3A [1] : vector<1024x128xf32> to vector<1024xf32>
    %broadcast_in_dim3A_36 = vector.shape_cast %reduce_sum3A_35 : vector<1024xf32> to vector<1024x1xf32>
    %slice3A_37 = vector.extract_strided_slice %get3A_31 {offsets = [0, 0], sizes = [1, 1], strides = [1, 1]} : vector<3x128xf32> to vector<1x1xf32>
    %add3A_38 = vector.broadcast %slice3A_37 : vector<1x1xf32> to vector<1024x1xf32>
    %add3A_39 = arith.addf %broadcast_in_dim3A_36, %add3A_38 : vector<1024x1xf32>
    %neg3A = arith.constant 0.000000e+00 : f32
    %neg3A_40 = vector.broadcast %neg3A : f32 to vector<1024x1xf32>
    %neg3A_41 = arith.subf %neg3A_40, %add3A_39 : vector<1024x1xf32>
    %exp3A = math.exp %neg3A_41 : vector<1024x1xf32>
    %add3A_42 = arith.constant 1.000000e+00 : f32
    %add3A_43 = vector.broadcast %add3A_42 : f32 to vector<1024x1xf32>
    %add3A_44 = arith.addf %add3A_43, %exp3A : vector<1024x1xf32>
    %div3A = arith.constant 1.000000e+00 : f32
    %div3A_45 = vector.broadcast %div3A : f32 to vector<1024x1xf32>
    %div3A_46 = arith.divf %div3A_45, %add3A_44 : vector<1024x1xf32>
    %mul3A_47 = vector.broadcast %div3A_46 : vector<1024x1xf32> to vector<1024x128xf32>
    %mul3A_48 = arith.mulf %mul3A_47, %max3A_22 : vector<1024x128xf32>
    %slice3A_49 = vector.extract_strided_slice %get3A_28 {offsets = [1, 0], sizes = [1, 128], strides = [1, 1]} : vector<3x128xf32> to vector<1x128xf32>
    %mul3A_50 = vector.broadcast %slice3A_49 : vector<1x128xf32> to vector<1024x128xf32>
    %mul3A_51 = arith.mulf %max3A_12, %mul3A_50 : vector<1024x128xf32>
    %reduce_sum3A_52 = arith.constant dense<0.000000e+00> : vector<1024xf32>
    %reduce_sum3A_53 = vector.multi_reduction <add>, %mul3A_51, %reduce_sum3A_52 [1] : vector<1024x128xf32> to vector<1024xf32>
    %broadcast_in_dim3A_54 = vector.shape_cast %reduce_sum3A_53 : vector<1024xf32> to vector<1024x1xf32>
    %slice3A_55 = vector.extract_strided_slice %get3A_31 {offsets = [1, 0], sizes = [1, 1], strides = [1, 1]} : vector<3x128xf32> to vector<1x1xf32>
    %add3A_56 = vector.broadcast %slice3A_55 : vector<1x1xf32> to vector<1024x1xf32>
    %add3A_57 = arith.addf %broadcast_in_dim3A_54, %add3A_56 : vector<1024x1xf32>
    %neg3A_58 = arith.constant 0.000000e+00 : f32
    %neg3A_59 = vector.broadcast %neg3A_58 : f32 to vector<1024x1xf32>
    %neg3A_60 = arith.subf %neg3A_59, %add3A_57 : vector<1024x1xf32>
    %exp3A_61 = math.exp %neg3A_60 : vector<1024x1xf32>
    %add3A_62 = arith.constant 1.000000e+00 : f32
    %add3A_63 = vector.broadcast %add3A_62 : f32 to vector<1024x1xf32>
    %add3A_64 = arith.addf %add3A_63, %exp3A_61 : vector<1024x1xf32>
    %div3A_65 = arith.constant 1.000000e+00 : f32
    %div3A_66 = vector.broadcast %div3A_65 : f32 to vector<1024x1xf32>
    %div3A_67 = arith.divf %div3A_66, %add3A_64 : vector<1024x1xf32>
    %mul3A_68 = vector.broadcast %div3A_67 : vector<1024x1xf32> to vector<1024x128xf32>
    %mul3A_69 = arith.mulf %mul3A_68, %max3A_12 : vector<1024x128xf32>
    %add3A_70 = arith.addf %mul3A_48, %mul3A_69 : vector<1024x128xf32>
    %slice3A_71 = vector.extract_strided_slice %get3A_28 {offsets = [2, 0], sizes = [1, 128], strides = [1, 1]} : vector<3x128xf32> to vector<1x128xf32>
    %mul3A_72 = vector.broadcast %slice3A_71 : vector<1x128xf32> to vector<1024x128xf32>
    %mul3A_73 = arith.mulf %get3A_25, %mul3A_72 : vector<1024x128xf32>
    %reduce_sum3A_74 = arith.constant dense<0.000000e+00> : vector<1024xf32>
    %reduce_sum3A_75 = vector.multi_reduction <add>, %mul3A_73, %reduce_sum3A_74 [1] : vector<1024x128xf32> to vector<1024xf32>
    %broadcast_in_dim3A_76 = vector.shape_cast %reduce_sum3A_75 : vector<1024xf32> to vector<1024x1xf32>
    %slice3A_77 = vector.extract_strided_slice %get3A_31 {offsets = [2, 0], sizes = [1, 1], strides = [1, 1]} : vector<3x128xf32> to vector<1x1xf32>
    %add3A_78 = vector.broadcast %slice3A_77 : vector<1x1xf32> to vector<1024x1xf32>
    %add3A_79 = arith.addf %broadcast_in_dim3A_76, %add3A_78 : vector<1024x1xf32>
    %neg3A_80 = arith.constant 0.000000e+00 : f32
    %neg3A_81 = vector.broadcast %neg3A_80 : f32 to vector<1024x1xf32>
    %neg3A_82 = arith.subf %neg3A_81, %add3A_79 : vector<1024x1xf32>
    %exp3A_83 = math.exp %neg3A_82 : vector<1024x1xf32>
    %add3A_84 = arith.constant 1.000000e+00 : f32
    %add3A_85 = vector.broadcast %add3A_84 : f32 to vector<1024x1xf32>
    %add3A_86 = arith.addf %add3A_85, %exp3A_83 : vector<1024x1xf32>
    %div3A_87 = arith.constant 1.000000e+00 : f32
    %div3A_88 = vector.broadcast %div3A_87 : f32 to vector<1024x1xf32>
    %div3A_89 = arith.divf %div3A_88, %add3A_86 : vector<1024x1xf32>
    %mul3A_90 = vector.broadcast %div3A_89 : vector<1024x1xf32> to vector<1024x128xf32>
    %mul3A_91 = arith.mulf %mul3A_90, %get3A_25 : vector<1024x128xf32>
    %add3A_92 = arith.addf %add3A_70, %mul3A_91 : vector<1024x128xf32>
    %reduce_max3A = arith.constant dense<0xFF800000> : vector<1024xf32>
    %reduce_max3A_93 = vector.multi_reduction <maximumf>, %add3A_92, %reduce_max3A [1] : vector<1024x128xf32> to vector<1024xf32>
    %broadcast_in_dim3A_94 = vector.shape_cast %reduce_max3A_93 : vector<1024xf32> to vector<1024x1xf32>
    %sub3A_95 = vector.broadcast %broadcast_in_dim3A_94 : vector<1024x1xf32> to vector<1024x128xf32>
    %sub3A_96 = arith.subf %add3A_92, %sub3A_95 : vector<1024x128xf32>
    %exp3A_97 = math.exp %sub3A_96 : vector<1024x128xf32>
    %reduce_sum3A_98 = arith.constant dense<0.000000e+00> : vector<1024xf32>
    %reduce_sum3A_99 = vector.multi_reduction <add>, %exp3A_97, %reduce_sum3A_98 [1] : vector<1024x128xf32> to vector<1024xf32>
    %broadcast_in_dim3A_100 = vector.shape_cast %reduce_sum3A_99 : vector<1024xf32> to vector<1024x1xf32>
    %log3A = math.log %broadcast_in_dim3A_100 : vector<1024x1xf32>
    %add3A_101 = arith.addf %log3A, %broadcast_in_dim3A_94 : vector<1024x1xf32>
    %sub3A_102 = vector.broadcast %add3A_101 : vector<1024x1xf32> to vector<1024x128xf32>
    %sub3A_103 = arith.subf %add3A_92, %sub3A_102 : vector<1024x128xf32>
    %swap3A = arith.constant 0 : index
    %swap3A_104 = arith.constant 0 : index
    %swap3A_105 = vector.load %arg7[%swap3A, %swap3A_104] : memref<1024x128xf32, #tpu.memory_space<vmem>>, vector<1024x128xf32>
    tpu.vector_store %arg7[%swap3A, %swap3A_104], %sub3A_103 {strides = array<i32>} : memref<1024x128xf32, #tpu.memory_space<vmem>>, vector<1024x128xf32>,
    return
  }
  func.func @transform_0(%arg0: i32) -> (i32, i32, i32) {
    %c0_i32 = arith.constant 0 : i32
    %c0_i32_0 = arith.constant 0 : i32
    %c0_i32_1 = arith.constant 0 : i32
    return %c0_i32, %arg0, %c0_i32_0 : i32, i32, i32
  }
  func.func @transform_1(%arg0: i32) -> (i32, i32) {
    %c0_i32 = arith.constant 0 : i32
    %c0_i32_0 = arith.constant 0 : i32
    return %arg0, %c0_i32 : i32, i32
  }
  func.func @transform_2(%arg0: i32) -> (i32, i32) {
    %c0_i32 = arith.constant 0 : i32
    %c0_i32_0 = arith.constant 0 : i32
    return %arg0, %c0_i32 : i32, i32
  }
  func.func @transform_3(%arg0: i32) -> (i32, i32) {
    %c0_i32 = arith.constant 0 : i32
    %c0_i32_0 = arith.constant 0 : i32
    return %c0_i32, %arg0 : i32, i32
  }
  func.func @transform_4(%arg0: i32) -> (i32, i32) {
    %c0_i32 = arith.constant 0 : i32
    %c0_i32_0 = arith.constant 0 : i32
    %c0_i32_1 = arith.constant 0 : i32
    return %c0_i32, %c0_i32_0 : i32, i32
  }
  func.func @transform_5(%arg0: i32) -> (i32, i32) {
    %c0_i32 = arith.constant 0 : i32
    %c0_i32_0 = arith.constant 0 : i32
    %c0_i32_1 = arith.constant 0 : i32
    return %c0_i32, %c0_i32_0 : i32, i32
  }
  func.func @transform_6(%arg0: i32) -> (i32, i32) {
    %c0_i32 = arith.constant 0 : i32
    %c0_i32_0 = arith.constant 0 : i32
    return %arg0, %c0_i32 : i32, i32
  }
}

</mosaic_0001>

<sc_bundles>
// kernel: kernel.6.cloned.1.call-start
scs
__scs_entry_jumppad:
0x0: {  	(pc) =	sbr.rel $0x88, $3  }
0x1: {  	(tag) =	ssettag $0x0;
	lr =	simm.s32 $0x1  }
0x2: {  	[smem:$0x3F93] =	sst lr;
	_ =	strace $0xD0000000  }
0x3: {  	_ = 	snop  }
0x4: {  	_ = 	snop  }
0x5: {  	_ = 	snop  }
0x6: {  	_ = 	snop  }
0x7: {  	_ = 	snop  }
__scs_overlays_trampoline_lowered:
0x8: {  	[smem:$0x3FA2] =	sst s0  }
0x9: {  	[smem:$0x3FA3] =	sst s1  }
0xa: {  	[smem:$0x3FA4] =	sst s2  }
0xb: {  	[smem:$0x3FA5] =	sst s3  }
0xc: {  	[smem:$0x3FA6] =	sst s4  }
0xd: {  	[smem:$0x3FA7] =	sst s5  }
0xe: {  	[smem:$0x3FA8] =	sst s6  }
0xf: {  	[smem:$0x3FA9] =	sst s7  }
0x10: {  	[smem:$0x3FAA] =	sst s8  }
0x11: {  	[smem:$0x3FAB] =	sst s9;
	s0 =	simm.s32 @!p0 $0x0  }
0x12: {  	s1 =	sld [smem:$0x3F91];
	s0 =	simm.s32 @p0 $0x1  }
0x13: {  	[smem:$0x3FAC] =	sst s0;
	s0 =	simm.s32 @!p1 $0x0  }
0x14: {  	s2 =	sld [smem:$0x3F90];
	s0 =	simm.s32 @p1 $0x1  }
0x15: {  	[smem:$0x3FAD] =	sst s0;
	s0 =	simm.s32 @!p2 $0x0  }
0x16: {  	s3 =	sld [smem:$0x3FDB];
	s0 =	simm.s32 @p2 $0x1  }
0x17: {  	s4 =	simm.s32 $0x1BF5;
	[smem:$0x3FAF] =	sst s0  }
0x18: {  	s0 =	sld [smem:$0x3F92];
	_ =	swait.ge [sflag:s4], $0x0  }
0x19: {  	s7 =	sld [smem:$0x3F93]  }
0x1a: {  	s8 =	sadd.s32 $0xFFFFE003, lr  }
0x1b: {  	s9 =	sadd.s32 $0xFFFFFEF7, lr;
	s5 =	simm.s32 $0xFFFFFFFF;
	p2 =	slt.u32 s8, $0xFFFFF086  }
0x1c: {  	p1 =	slt.u32 s9, $0xF7A;
	s5 =	simm.s32 @!p2 $0x0  }
0x1d: {  	s5 =	simm.s32 @p1 $0x1;
	p0 =	seq.s32 s7, s2  }
0x1e: {  	s7 =	smul.u32 @!p0 $0xF7A, s2;
	p2 =	seq.s32 @!p0 s5, $0x0  }
0x1f: {  	s9 =	smul.u32 $0xF7A, s1;
	s8 =	simm.s32 @!p0 $0x1BF5;
	p2 =	por !p2, p0  }
0x20: {  	[sflag:s8] =	ssyncset.s32 @!p0 $0xFFFFF086;
	s6 =	sadd.s32 @!p0 s3, s7;
	s7 =	simm.s32 @!p0 $0x108  }
0x21: {  	s3 =	sadd.s32 s3, s9;
	s6 =	sadd.s32 @!p0 $0x88, s6;
	s7 =	simm.s32 @p2 $0x1082  }
0x22: {  	[simem:s7], [sflag:s8] =	dma.local @!p0 [hbm:s6], $0xF7A  }
0x23: {  	s9 =	sor.u32 $0xD0000000, s2;
	s6 =	simm.s32 $0x108;
	_ =	swait.ge @!p0 [sflag:s8], $0x0  }
0x24: {  	s3 =	sadd.s32 $0x88, s3;
	s6 =	simm.s32 @!p1 $0x1082;
	[sflag:s4] =	ssyncset.s32 $0xFFFFF086  }
0x25: {  	[simem:s6], [sflag:s4] =	dma.local [hbm:s3], $0xF7A  }
0x26: {  	[smem:$0x3F93] =	sst s1;
	(tag) =	ssettag s2;
	_ =	strace s9  }
0x27: {  	s1 =	sld [smem:$0x3FA3]  }
0x28: {  	s2 =	sld [smem:$0x3FA4]  }
0x29: {  	s4 =	sld [smem:$0x3FA6]  }
0x2a: {  	p0 =	seq.s32 s5, $0x0;
	s5 =	sld [smem:$0x3FA7]  }
0x2b: {  	s6 =	sld [smem:$0x3FA8]  }
0x2c: {  	s7 =	sld [smem:$0x3FA9]  }
0x2d: {  	s3 =	simm.s32 $0x108;
	s8 =	sld [smem:$0x3FAA]  }
0x2e: {  	s3 =	simm.s32 @!p0 $0x1082;
	s9 =	sld [smem:$0x3FAB]  }
0x2f: {  	lr =	sadd.s32 s0, s3;
	s0 =	sld [smem:$0x3FA2]  }
0x30: {  	s3 =	sld [smem:$0x3FA5]  }
0x31: {  	[smem:$0x3FAE] =	sst s10  }
0x32: {  	s10 =	sld [smem:$0x3FAC];
	_ =	sdelay $0x3  }
0x33: {  	p0 =	seq.s32 s10, $0x1;
	s10 =	sld [smem:$0x3FAE];
	_ =	sdelay $0x3  }
0x34: {  	[smem:$0x3FAE] =	sst s10  }
0x35: {  	s10 =	sld [smem:$0x3FAD];
	_ =	sdelay $0x3  }
0x36: {  	p1 =	seq.s32 s10, $0x1;
	s10 =	sld [smem:$0x3FAE];
	_ =	sdelay $0x3  }
0x37: {  	[smem:$0x3FAE] =	sst s10  }
0x38: {  	s10 =	sld [smem:$0x3FAF]  }
0x39: {  	_ = 	snop;
	(pc) =	sbr.ind lr, $3  }
0x3a: {  	_ = 	snop  }
0x3b: {  	_ = 	snop  }
0x3c: {  	p2 =	seq.s32 s10, $0x1;
	s10 =	sld [smem:$0x3FAE]  }
0x3d: {  	_ =	shalt  }
0x3e: {  	_ =	shalt  }
0x3f: {  	_ =	shalt  }
0x40: {  	_ =	shalt  }
0x41: {  	_ =	shalt  }
0x42: {  	_ =	shalt  }
0x43: {  	_ =	shalt  }
0x44: {  	_ =	shalt  }
0x45: {  	_ =	shalt  }
0x46: {  	_ =	shalt  }
0x47: {  	_ =	shalt  }
0x48: {  	_ =	shalt  }
0x49: {  	_ =	shalt  }
0x4a: {  	_ =	shalt  }
0x4b: {  	_ =	shalt  }
0x4c: {  	_ =	shalt  }
0x4d: {  	_ =	shalt  }
0x4e: {  	_ =	shalt  }
0x4f: {  	_ =	shalt  }
0x50: {  	_ =	shalt  }
0x51: {  	_ =	shalt  }
0x52: {  	_ =	shalt  }
0x53: {  	_ =	shalt  }
0x54: {  	_ =	shalt  }
0x55: {  	_ =	shalt  }
0x56: {  	_ =	shalt  }
0x57: {  	_ =	shalt  }
0x58: {  	_ =	shalt  }
0x59: {  	_ =	shalt  }
0x5a: {  	_ =	shalt  }
0x5b: {  	_ =	shalt  }
0x5c: {  	_ =	shalt  }
0x5d: {  	_ =	shalt  }
0x5e: {  	_ =	shalt  }
0x5f: {  	_ =	shalt  }
0x60: {  	_ =	shalt  }
0x61: {  	_ =	shalt  }
0x62: {  	_ =	shalt  }
0x63: {  	_ =	shalt  }
0x64: {  	_ =	shalt  }
0x65: {  	_ =	shalt  }
0x66: {  	_ =	shalt  }
0x67: {  	_ =	shalt  }
0x68: {  	_ =	shalt  }
0x69: {  	_ =	shalt  }
0x6a: {  	_ =	shalt  }
0x6b: {  	_ =	shalt  }
0x6c: {  	_ =	shalt  }
0x6d: {  	_ =	shalt  }
0x6e: {  	_ =	shalt  }
0x6f: {  	_ =	shalt  }
0x70: {  	_ =	shalt  }
0x71: {  	_ =	shalt  }
0x72: {  	_ =	shalt  }
0x73: {  	_ =	shalt  }
0x74: {  	_ =	shalt  }
0x75: {  	_ =	shalt  }
0x76: {  	_ =	shalt  }
0x77: {  	_ =	shalt  }
0x78: {  	_ =	shalt  }
0x79: {  	_ =	shalt  }
0x7a: {  	_ =	shalt  }
0x7b: {  	_ =	shalt  }
0x7c: {  	_ =	shalt  }
0x7d: {  	_ =	shalt  }
0x7e: {  	_ =	shalt  }
0x7f: {  	_ =	shalt  }
0x80: {  	_ =	shalt  }
0x81: {  	_ =	shalt  }
0x82: {  	_ =	shalt  }
0x83: {  	_ =	shalt  }
0x84: {  	_ =	shalt  }
0x85: {  	_ =	shalt  }
0x86: {  	_ =	shalt  }
0x87: {  	_ =	shalt  }
.Lfunc_end0:
.L_simem_size_0:
called_computation_lowered:
.L_overlay_start_0:
0x88: {  	s2 =	sld [smem:$0x3FD9]  }
0x89: {  	s3 =	sld [smem:$0x3FFE];
	_ =	sdelay $0x1  }
0x8a: {  	s1 =	srdreg.scid  }
0x8b: {  	s0 =	sand.u32 $0x1, s1  }
0x8c: {  	s16 =	sshll.u32 s0, $0xA;
	s2 =	sadd.s32 s3, s2  }
0x8d: {  	s2 =	sadd.s32 s2, s16  }
0x8e: {  	[smem:$0x3FBA] =	sst s2  }
0x8f: {  	_ = 	snop  }
0x90: {  	(tm) =	ssettm $0x1  }
0x91: {  	s17 =	sld [smem:$0x3FFB];
	_ =	sdelay $0x3  }
0x92: {  	_ =	strace s17  }
0x93: {  	s2 =	sld [smem:$0x3FFC];
	_ =	sdelay $0x3  }
0x94: {  	_ =	strace s2  }
0x95: {  	s2 =	sld [smem:$0x3FFD];
	_ =	sdelay $0x3  }
0x96: {  	_ =	strace s2  }
0x97: {  	_ =	strace $0x8FFFFFFF  }
0x98: {  	s18 =	sld [smem:$0x3FDB];
	_ =	sdelay $0x1  }
0x99: {  	s19 =	simm.s32 $_scs_section_size  }
0x9a: {  	s4 =	simm.s32 $_size__tile_overlayer_lowered;
	s5 =	simm.s32 $_tile_overlayer_lowered  }
0x9b: {  	s22 =	simm.s32 $0x1BFF;
	s21 =	sshll.u32 s5, $0x1;
	s2 =	sadd.s32 s19, s18  }
0x9c: {  	s6 =	simm.s32 $0x0;
	s20 =	sshll.u32 s4, $0x1;
	s4 =	sadd.s32 s21, s2  }
0x9d: {  	[timem:s6], [sflag:s22] =	dma.local [hbm:s4], s20  }
0x9e: {  	_ =	swait.ge [sflag:s22], s20  }
0x9f: {  	s3 =	ssub.s32 $0x0, s20;
	[sflag:s22] =	ssyncset.done $0x0  }
0xa0: {  	[sflag:s22] =	ssyncadd.s32 s3;
	_ =	sdelay $0x1  }
0xa1: {  	s23 =	simm.s32 $0x1B8B  }
0xa2: {  	_ =	swait.ge [sflag:s23], $0x1  }
0xa3: {  	[sflag:s23] =	ssyncset.done $0x0  }
0xa4: {  	s25 =	simm.s32 $0x1B8E;
	s24 =	sld [smem:$0x3FFE];
	[sflag:s23] =	ssyncadd.s32 $0xFFFFFFFF  }
0xa5: {  	s26 =	simm.s32 $execute0_lowered;
	[smem:$0x3FD2] =	sst s25  }
0xa6: {  	s4 =	sshll.u32 s26, $0x1;
	_ =	strace $0x80000046;
	[dreg:$0x1] =	wrdreg $0xFFFFFFFF  }
0xa7: {  	s28 =	simm.s32 $_size_execute0_lowered;
	s2 =	sadd.s32 s2, s4;
	[dreg:$0x0] =	wrdreg $0x0  }
0xa8: {  	s4 =	sshll.u32 s28, $0x1;
	[dreg:$0x2] =	wrdreg s2  }
0xa9: {  	[dreg:$0x3] =	wrdreg s4  }
0xaa: {  	[dreg:$0x4] =	wrdreg $0xC0  }
0xab: {  	_ =	task [dreg:s6], $0x5FFFF  }
0xac: {  	[dreg:$0x1] =	wrdreg $0xFFFFFFFF  }
0xad: {  	[dreg:$0x0] =	wrdreg $0x60  }
0xae: {  	[dreg:$0x2] =	wrdreg s24  }
0xaf: {  	[dreg:$0x3] =	wrdreg $0x9  }
0xb0: {  	_ =	task.clear_ibuf [dreg:s6], $0x4FFFF;
	_ =	strace $0x90000046  }
0xb1: {  	s29 =	simm.s32 $0x9;
	_ =	strace $0x80000048  }
0xb2: {  	_ =	swait.ge [sflag:s29], $0x1  }
0xb3: {  	[sflag:s29] =	ssyncadd.s32 $0xFFFFFFFF  }
0xb4: {  	_ =	strace $0x90000048  }
0xb5: {  	_ =	sfence  }
0xb6: {  	s30 =	sld [smem:$0x0];
	_ =	sdelay $0x2  }
0xb7: {  	s31 =	sshll.u32 s1, $0xD;
	s1 =	sshrl.u32 s1, $0x2  }
0xb8: {  	s3 =	sand.u32 $0x4000, s31;
	s1 =	sadd.s32 s1, s30  }
0xb9: {  	s0 =	sor.u32 s3, s0;
	s1 =	sshll.u32 s1, $0x11  }
0xba: {  	s0 =	sor.u32 s1, s0  }
0xbb: {  	s0 =	sadd.s32 $0x8F2B, s0  }
0xbc: {  	[sflag:s0] =	ssyncadd.remote.s32 $0x1  }
0xbd: {  	_ =	sfence.sel $0xFFFF  }
0xbe: {  	[dreg:$0x0] =	wrdreg $0xFFFFFFFF;
	(pc) =	sbr.abs _section_cstart, $3  }
0xbf: {  	[dreg:$0x1] =	wrdreg $0xFFFFFFFF  }
0xc0: {  	_ =	task.clear_ibuf [dreg:s6], $0x2FFFF;
	_ =	strace $0x9FFFFFFF  }
0xc1: {  	(tm) =	ssettm $0x7FFFFFFF  }
tec
execute0_lowered:
.L_overlay_start_1:
0x0: {  	(tag) =	ssettag $0x1  }
0x1: {  	s1 =	srdreg.scid  }
0x2: {  	s0 =	stileid.u32;
	s4 =	rddreg [dreg:$0x0]  }
0x3: {  	s9 =	simm.s32 $0x80;
	s10 =	simm.s32 $0x400;
	s11 =	simm.s32 $0x16000  }
0x4: {  	s12 =	simm.s32 $0x2;
	s13 =	simm.s32 $0x0;
	s3 =	sand.u32 $0x1, s1  }
0x5: {  	s2 =	sshll.u32 s0, $0x1;
	s1 =	rddreg [dreg:$0x1];
	s7 =	sshrl.u32 s0, $0x2  }
0x6: {  	s5 =	sor.u32 s3, s2;
	s2 =	simm.s32 $0x0;
	s7 =	smul.u32 $0x14000, s7  }
0x7: {  	v1 =	vlaneseq.u32;
	s31 =	ssub.s32 $0x2, s3;
	s6 =	smul.u32 $0x4E2, s5;
	s5 =	sshll.u32 s5, $0x7  }
0x8: {  	v0 =	vmul.u32 $0x8, v1;
	s3 =	sadd.s32 $0xBC00, s4;
	[smem:$0x7FF] =	sst s2;
	s5 =	sand.u32 $0x380, s5  }
0x9: {  	v2 =	vimm.f32 $1.000000000e+00;
	vm0 =	vcmask $0x3F20;
	s8 =	sshrl.u32 s31, $0x1;
	_ =	strace $0x80000047;
	s5 =	sor.u32 s7, s5  }
0xa: {  	v10 =	vimm.f32 $0.0e+00;
	v1 =	vand.u32 $0x7, v1;
	v3 =	vor.u32 $0x1, v0;
	s6 =	sadd.s32 s6, s4;
	s7 =	ssub.s32 s31, s8;
	s5 =	sshrl.u32 s5, $0x3  }
0xb: {  	v4 =	vor.u32 $0x2, v0;
	v5 =	vor.u32 $0x3, v0;
	v6 =	vor.u32 $0x4, v0;
	s8 =	simm.s32 $0x1;
	s5 =	sadd.s32 s5, s4;
	s4 =	sadd.s32 $0x1E00, s6  }
0xc: {  	v7 =	vor.u32 $0x5, v0;
	v8 =	vor.u32 $0x6, v0;
	v9 =	vor.u32 $0x7, v0;
	s6 =	smax.u32 s7, $0x1;
	s7 =	simm.s32 $0x13880;
	s5 =	sadd.s32 $0xE400, s5  }
.LBB2_1:
0xd: {  	[tilespmem:s2], [sflag:$0x1] =	stream.linear.gather [hbm4b:s3+s2], $0x13880, $0x38;
	[tilespmem:$0x18800] =	vst v63  }
0xe: {  	_ = 	snop  }
0xf: {  	[tilespmem:s7], [sflag:$0x1] =	stream.linear.gather [hbm4b:s4+s2], $0x2710, $0x38;
	[tilespmem:$0x18800] =	vst v63  }
0x10: {  	_ =	swait.ge [sflag:s8], $0x13880  }
0x11: {  	[sflag:s8] =	ssyncset.done $0x0  }
0x12: {  	[sflag:s8] =	ssyncadd.s32 $0xFFFEC780  }
0x13: {  	_ =	swait.ge [sflag:s8], $0x2710  }
0x14: {  	[sflag:s8] =	ssyncset.done $0x0  }
0x15: {  	s15 =	simm.s32 $0x0;
	[sflag:s8] =	ssyncadd.s32 $0xFFFFD8F0  }
.LBB2_2:
0x16: {  	s14 =	sshra.s32 s15, $0x2  }
0x17: {  	v11 =	vld [tilespmem:s14+$0x13880];
	_ =	sdelay $0x4  }
0x18: {  	v11 =	vshll.u32 v11, $0x3  }
0x19: {  	v11 =	vor.u32 v1, v11  }
0x1a: {  	p0 =	sne.s32 s15, $0x9C00  }
.Ltmp0:
0x1b: {  	_ = 	snop;
	(pc) =	sbr.rel @p0 .LBB2_2-.Ltmp0, $4  }
0x1c: {  	_ = 	snop  }
0x1d: {  	s14 =	simm.s32 $0x0  }
0x1e: {  	[tilespmem:v11+s14+$0x0] =	vst.idx.add.f32.msk $0xff, v2  }
0x1f: {  	s15 =	sadd.s32 $0x40, s15;
	[tilespmem:v11+s14+$0x0] =	vst.idx.add.f32.msk vm0, v2  }
0x20: {  	v11 =	vor.u32 s14, v3  }
0x21: {  	v12 =	vor.u32 s14, v0;
	_ =	sdelay $0x1  }
0x22: {  	v13 =	vor.u32 s14, v4;
	_ =	sdelay $0x1  }
0x23: {  	v14 =	vor.u32 s14, v5;
	v11 =	vld.idx.msk [tilespmem:v11+s2+$0x0], $0xffff  }
0x24: {  	v12 =	vld.idx.msk [tilespmem:v12+s2+$0x0], $0xffff  }
0x25: {  	v15 =	vor.u32 s14, v6  }
0x26: {  	v13 =	vld.idx.msk [tilespmem:v13+s2+$0x0], $0xffff  }
0x27: {  	v16 =	vor.u32 s14, v7  }
0x28: {  	v14 =	vld.idx.msk [tilespmem:v14+s2+$0x0], $0xffff  }
0x29: {  	v17 =	vor.u32 s14, v8;
	v11 =	vadd.f32 v11, v12  }
0x2a: {  	v12 =	vld.idx.msk [tilespmem:v15+s2+$0x0], $0xffff  }
0x2b: {  	v15 =	vor.u32 s14, v9;
	v11 =	vadd.f32 v13, v11  }
0x2c: {  	v13 =	vld.idx.msk [tilespmem:v16+s2+$0x0], $0xffff  }
0x2d: {  	v11 =	vadd.f32 v14, v11  }
0x2e: {  	v14 =	vld.idx.msk [tilespmem:v17+s2+$0x0], $0xffff  }
0x2f: {  	v11 =	vadd.f32 v12, v11  }
0x30: {  	v12 =	vld.idx.msk [tilespmem:v15+s2+$0x0], $0xffff  }
0x31: {  	v11 =	vadd.f32 v13, v11  }
0x32: {  	s15 =	simm.s32 $0x80  }
0x33: {  	v13 =	vor.u32 s15, v3;
	v11 =	vadd.f32 v14, v11  }
0x34: {  	v14 =	vor.u32 s15, v0  }
0x35: {  	v11 =	vadd.f32 v12, v11  }
0x36: {  	s14 =	simm.s32 $0x16000;
	v12 =	vor.u32 s15, v4  }
0x37: {  	[tilespmem:s14+$0x0] =	vst v11  }
0x38: {  	v11 =	vld.idx.msk [tilespmem:v13+s2+$0x0], $0xffff;
	v13 =	vor.u32 s15, v5  }
0x39: {  	v14 =	vld.idx.msk [tilespmem:v14+s2+$0x0], $0xffff;
	_ =	sdelay $0x1  }
0x3a: {  	v12 =	vld.idx.msk [tilespmem:v12+s2+$0x0], $0xffff  }
0x3b: {  	v15 =	vor.u32 s15, v6  }
0x3c: {  	v13 =	vld.idx.msk [tilespmem:v13+s2+$0x0], $0xffff  }
0x3d: {  	v62 =	vor.u32 s15, v7;
	v11 =	vadd.f32 v11, v14;
	_ =	sdelay $0x1  }
0x3e: {  	v63 =	vor.u32 s15, v8;
	v11 =	vadd.f32 v12, v11  }
0x3f: {  	v14 =	vld.idx.msk [tilespmem:v15+s2+$0x0], $0xffff  }
0x40: {  	v11 =	vadd.f32 v13, v11;
	v13 =	vor.u32 s15, v9  }
0x41: {  	v12 =	vld.idx.msk [tilespmem:v62+s2+$0x0], $0xffff;
	_ =	sdelay $0x1  }
0x42: {  	v15 =	vld.idx.msk [tilespmem:v63+s2+$0x0], $0xffff  }
0x43: {  	v11 =	vadd.f32 v14, v11  }
0x44: {  	v13 =	vld.idx.msk [tilespmem:v13+s2+$0x0], $0xffff  }
0x45: {  	v12 =	vadd.f32 v12, v11  }
0x46: {  	s15 =	simm.s32 $0x100  }
0x47: {  	v11 =	vor.u32 s15, v3;
	v14 =	vadd.f32 v15, v12  }
0x48: {  	s16 =	simm.s32 $0x180;
	v12 =	vor.u32 s15, v0  }
.LBB2_4:
0x49: {  	p0 =	sne.s32 s16, $0x13800;
	v13 =	vadd.f32 v13, v14  }
0x4a: {  	v14 =	vor.u32 s15, v4;
	s14 =	sadd.s32 $0x10, s14  }
0x4b: {  	[tilespmem:s14+$0x0] =	vst v13  }
0x4c: {  	v13 =	vor.u32 s15, v5;
	v11 =	vld.idx.msk [tilespmem:v11+s2+$0x0], $0xffff  }
0x4d: {  	v12 =	vld.idx.msk [tilespmem:v12+s2+$0x0], $0xffff  }
0x4e: {  	v15 =	vor.u32 s15, v6  }
0x4f: {  	v14 =	vld.idx.msk [tilespmem:v14+s2+$0x0], $0xffff  }
0x50: {  	v16 =	vor.u32 s15, v7  }
0x51: {  	v13 =	vld.idx.msk [tilespmem:v13+s2+$0x0], $0xffff  }
0x52: {  	v17 =	vor.u32 s15, v8  }
0x53: {  	v11 =	vadd.f32 v11, v12;
	v12 =	vld.idx.msk [tilespmem:v15+s2+$0x0], $0xffff  }
0x54: {  	v15 =	vor.u32 s15, v9;
	s15 =	smov.u32 s16  }
0x55: {  	v11 =	vadd.f32 v14, v11;
	v14 =	vld.idx.msk [tilespmem:v16+s2+$0x0], $0xffff;
	_ =	sdelay $0x1  }
0x56: {  	v11 =	vadd.f32 v13, v11;
	v16 =	vld.idx.msk [tilespmem:v17+s2+$0x0], $0xffff;
	_ =	sdelay $0x1  }
0x57: {  	v11 =	vadd.f32 v12, v11;
	v13 =	vld.idx.msk [tilespmem:v15+s2+$0x0], $0xffff  }
.Ltmp1:
0x58: {  	(pc) =	sbr.rel @p0 .LBB2_4-.Ltmp1, $3  }
0x59: {  	v12 =	vadd.f32 v14, v11;
	_ =	sdelay $0x1  }
0x5a: {  	v11 =	vor.u32 s16, v3;
	v14 =	vadd.f32 v16, v12  }
0x5b: {  	s16 =	sadd.s32 $0x80, s16;
	v12 =	vor.u32 s15, v0  }
0x5c: {  	_ = 	snop  }
0x5d: {  	v13 =	vadd.f32 v13, v14  }
0x5e: {  	v57 =	vor.u32 s15, v4;
	s14 =	sadd.s32 $0x10, s14  }
0x5f: {  	[tilespmem:s14+$0x0] =	vst v13  }
0x60: {  	v58 =	vor.u32 s15, v5;
	v11 =	vld.idx.msk [tilespmem:v11+s2+$0x0], $0xffff  }
0x61: {  	v12 =	vld.idx.msk [tilespmem:v12+s2+$0x0], $0xffff  }
0x62: {  	v15 =	vor.u32 s15, v6  }
0x63: {  	v14 =	vld.idx.msk [tilespmem:v57+s2+$0x0], $0xffff  }
0x64: {  	v16 =	vor.u32 s15, v7  }
0x65: {  	v13 =	vld.idx.msk [tilespmem:v58+s2+$0x0], $0xffff  }
0x66: {  	v17 =	vor.u32 s15, v8;
	v11 =	vadd.f32 v11, v12  }
0x67: {  	v59 =	vld.idx.msk [tilespmem:v15+s2+$0x0], $0xffff  }
0x68: {  	v60 =	vor.u32 s15, v9;
	v11 =	vadd.f32 v14, v11  }
0x69: {  	v61 =	vld.idx.msk [tilespmem:v16+s2+$0x0], $0xffff  }
0x6a: {  	v11 =	vadd.f32 v13, v11  }
0x6b: {  	v62 =	vld.idx.msk [tilespmem:v17+s2+$0x0], $0xffff  }
0x6c: {  	v11 =	vadd.f32 v59, v11  }
0x6d: {  	v63 =	vld.idx.msk [tilespmem:v60+s2+$0x0], $0xffff  }
0x6e: {  	v11 =	vadd.f32 v61, v11;
	_ =	sdelay $0x1  }
0x6f: {  	v11 =	vadd.f32 v62, v11;
	_ =	sdelay $0x1  }
0x70: {  	v11 =	vadd.f32 v63, v11  }
0x71: {  	s14 =	sadd.s32 $0x10, s14  }
0x72: {  	[tilespmem:s14+$0x0] =	vst v11  }
0x73: {  	[tilespmem:$0x18710] =	vst v10  }
0x74: {  	[tilespmem:$0x18720] =	vst v10  }
0x75: {  	[tilespmem:$0x18730] =	vst v10  }
0x76: {  	[tilespmem:$0x18740] =	vst v10  }
0x77: {  	[tilespmem:$0x18750] =	vst v10  }
0x78: {  	[tilespmem:$0x18760] =	vst v10  }
0x79: {  	[tilespmem:$0x18770] =	vst v10  }
0x7a: {  	[tilespmem:$0x18780] =	vst v10  }
0x7b: {  	[tilespmem:$0x18790] =	vst v10  }
0x7c: {  	[tilespmem:$0x187A0] =	vst v10  }
0x7d: {  	[tilespmem:$0x187B0] =	vst v10  }
0x7e: {  	[tilespmem:$0x187C0] =	vst v10  }
0x7f: {  	s13 =	sadd.s32 $0x1, s13;
	[tilespmem:$0x187D0] =	vst v10  }
0x80: {  	p0 =	sne.s32 s13, s6;
	[tilespmem:$0x187E0] =	vst v10  }
.Ltmp2:
0x81: {  	[tilespmem:$0x187F0] =	vst v10;
	(pc) =	sbr.rel @p0 .LBB2_1-.Ltmp2, $4  }
0x82: {  	[hbm4b:s5+s9] =	stream.strided.scatter [tilespmem:s11], [sflag:$0x2], $0x2800, s10, s9, $0x38;
	[tilespmem:$0x18800] =	vst v63  }
0x83: {  	_ =	swait.ge [sflag:s12], $0x2800  }
0x84: {  	[sflag:s12] =	ssyncset.done $0x0  }
0x85: {  	[sflag:s12] =	ssyncadd.s32 $0xFFFFD800  }
0x86: {  	_ =	sfence.sel $0x180000  }
0x87: {  	[bflag:$0x0] =	sbarrier.arrive $0xFFFF  }
0x88: {  	p0 =	sne.s32 s0, $0x0;
	_ =	strace $0x90000047  }
0x89: {  	s0 =	sadd.s32 @!p0 $0x100000, s1;
	[bflag:$0x2] =	sbarrier.arrive $0xFFFF  }
0x8a: {  	[sflag:s0] =	ssyncadd.tile.s32 @!p0 $0x1;
	_ =	shalt  }
.Lfunc_end2:
_tile_overlayer_lowered:
.L_overlay_start_2:
0x8b: {  	(tag) =	ssettag $0x2  }
0x8c: {  	s0 =	rddreg [dreg:$0x0];
	s2 =	stileid.u32  }
0x8d: {  	s1 =	rddreg [dreg:$0x1];
	p0 =	sne.s32 s2, $0x0  }
0x8e: {  	s3 =	rddreg [dreg:$0x2];
	[bflag:$0x3] =	sbarrier.arrive $0xFFFF;
	s2 =	simm.s32 @!p0 $0x1C02  }
0x8f: {  	[timem:s3], [sflag:s2] =	dma.local @!p0 [hbm:s0], s1  }
0x90: {  	s0 =	simm.s32 @!p0 $0x2  }
0x91: {  	_ =	swait.ge @!p0 [sflag:s0], s1  }
0x92: {  	s1 =	ssub.s32 @!p0 $0x0, s1;
	[sflag:s0] =	ssyncset.done @!p0 $0x0  }
0x93: {  	[sflag:s0] =	ssyncadd.s32 @!p0 s1  }
0x94: {  	[bflag:$0x3] =	sbarrier.arrive $0xFFFF  }
0x95: {  	_ =	shalt  }

// kernel: kernel.9.cloned.1.call-start
scs
__scs_entry_jumppad:
0x0: {  	(pc) =	sbr.rel $0x88, $3  }
0x1: {  	(tag) =	ssettag $0x0;
	lr =	simm.s32 $0x1  }
0x2: {  	[smem:$0x3F93] =	sst lr;
	_ =	strace $0xD0000000  }
0x3: {  	_ = 	snop  }
0x4: {  	_ = 	snop  }
0x5: {  	_ = 	snop  }
0x6: {  	_ = 	snop  }
0x7: {  	_ = 	snop  }
__scs_overlays_trampoline_lowered:
0x8: {  	[smem:$0x3FA2] =	sst s0  }
0x9: {  	[smem:$0x3FA3] =	sst s1  }
0xa: {  	[smem:$0x3FA4] =	sst s2  }
0xb: {  	[smem:$0x3FA5] =	sst s3  }
0xc: {  	[smem:$0x3FA6] =	sst s4  }
0xd: {  	[smem:$0x3FA7] =	sst s5  }
0xe: {  	[smem:$0x3FA8] =	sst s6  }
0xf: {  	[smem:$0x3FA9] =	sst s7  }
0x10: {  	[smem:$0x3FAA] =	sst s8  }
0x11: {  	[smem:$0x3FAB] =	sst s9;
	s0 =	simm.s32 @!p0 $0x0  }
0x12: {  	s1 =	sld [smem:$0x3F91];
	s0 =	simm.s32 @p0 $0x1  }
0x13: {  	[smem:$0x3FAC] =	sst s0;
	s0 =	simm.s32 @!p1 $0x0  }
0x14: {  	s2 =	sld [smem:$0x3F90];
	s0 =	simm.s32 @p1 $0x1  }
0x15: {  	[smem:$0x3FAD] =	sst s0;
	s0 =	simm.s32 @!p2 $0x0  }
0x16: {  	s3 =	sld [smem:$0x3FDB];
	s0 =	simm.s32 @p2 $0x1  }
0x17: {  	s4 =	simm.s32 $0x1BF5;
	[smem:$0x3FAF] =	sst s0  }
0x18: {  	s0 =	sld [smem:$0x3F92];
	_ =	swait.ge [sflag:s4], $0x0  }
0x19: {  	s7 =	sld [smem:$0x3F93]  }
0x1a: {  	s8 =	sadd.s32 $0xFFFFE003, lr  }
0x1b: {  	s9 =	sadd.s32 $0xFFFFFEF7, lr;
	s5 =	simm.s32 $0xFFFFFFFF;
	p2 =	slt.u32 s8, $0xFFFFF086  }
0x1c: {  	p1 =	slt.u32 s9, $0xF7A;
	s5 =	simm.s32 @!p2 $0x0  }
0x1d: {  	s5 =	simm.s32 @p1 $0x1;
	p0 =	seq.s32 s7, s2  }
0x1e: {  	s7 =	smul.u32 @!p0 $0xF7A, s2;
	p2 =	seq.s32 @!p0 s5, $0x0  }
0x1f: {  	s9 =	smul.u32 $0xF7A, s1;
	s8 =	simm.s32 @!p0 $0x1BF5;
	p2 =	por !p2, p0  }
0x20: {  	[sflag:s8] =	ssyncset.s32 @!p0 $0xFFFFF086;
	s6 =	sadd.s32 @!p0 s3, s7;
	s7 =	simm.s32 @!p0 $0x108  }
0x21: {  	s3 =	sadd.s32 s3, s9;
	s6 =	sadd.s32 @!p0 $0x88, s6;
	s7 =	simm.s32 @p2 $0x1082  }
0x22: {  	[simem:s7], [sflag:s8] =	dma.local @!p0 [hbm:s6], $0xF7A  }
0x23: {  	s9 =	sor.u32 $0xD0000000, s2;
	s6 =	simm.s32 $0x108;
	_ =	swait.ge @!p0 [sflag:s8], $0x0  }
0x24: {  	s3 =	sadd.s32 $0x88, s3;
	s6 =	simm.s32 @!p1 $0x1082;
	[sflag:s4] =	ssyncset.s32 $0xFFFFF086  }
0x25: {  	[simem:s6], [sflag:s4] =	dma.local [hbm:s3], $0xF7A  }
0x26: {  	[smem:$0x3F93] =	sst s1;
	(tag) =	ssettag s2;
	_ =	strace s9  }
0x27: {  	s1 =	sld [smem:$0x3FA3]  }
0x28: {  	s2 =	sld [smem:$0x3FA4]  }
0x29: {  	s4 =	sld [smem:$0x3FA6]  }
0x2a: {  	p0 =	seq.s32 s5, $0x0;
	s5 =	sld [smem:$0x3FA7]  }
0x2b: {  	s6 =	sld [smem:$0x3FA8]  }
0x2c: {  	s7 =	sld [smem:$0x3FA9]  }
0x2d: {  	s3 =	simm.s32 $0x108;
	s8 =	sld [smem:$0x3FAA]  }
0x2e: {  	s3 =	simm.s32 @!p0 $0x1082;
	s9 =	sld [smem:$0x3FAB]  }
0x2f: {  	lr =	sadd.s32 s0, s3;
	s0 =	sld [smem:$0x3FA2]  }
0x30: {  	s3 =	sld [smem:$0x3FA5]  }
0x31: {  	[smem:$0x3FAE] =	sst s10  }
0x32: {  	s10 =	sld [smem:$0x3FAC];
	_ =	sdelay $0x3  }
0x33: {  	p0 =	seq.s32 s10, $0x1;
	s10 =	sld [smem:$0x3FAE];
	_ =	sdelay $0x3  }
0x34: {  	[smem:$0x3FAE] =	sst s10  }
0x35: {  	s10 =	sld [smem:$0x3FAD];
	_ =	sdelay $0x3  }
0x36: {  	p1 =	seq.s32 s10, $0x1;
	s10 =	sld [smem:$0x3FAE];
	_ =	sdelay $0x3  }
0x37: {  	[smem:$0x3FAE] =	sst s10  }
0x38: {  	s10 =	sld [smem:$0x3FAF]  }
0x39: {  	_ = 	snop;
	(pc) =	sbr.ind lr, $3  }
0x3a: {  	_ = 	snop  }
0x3b: {  	_ = 	snop  }
0x3c: {  	p2 =	seq.s32 s10, $0x1;
	s10 =	sld [smem:$0x3FAE]  }
0x3d: {  	_ =	shalt  }
0x3e: {  	_ =	shalt  }
0x3f: {  	_ =	shalt  }
0x40: {  	_ =	shalt  }
0x41: {  	_ =	shalt  }
0x42: {  	_ =	shalt  }
0x43: {  	_ =	shalt  }
0x44: {  	_ =	shalt  }
0x45: {  	_ =	shalt  }
0x46: {  	_ =	shalt  }
0x47: {  	_ =	shalt  }
0x48: {  	_ =	shalt  }
0x49: {  	_ =	shalt  }
0x4a: {  	_ =	shalt  }
0x4b: {  	_ =	shalt  }
0x4c: {  	_ =	shalt  }
0x4d: {  	_ =	shalt  }
0x4e: {  	_ =	shalt  }
0x4f: {  	_ =	shalt  }
0x50: {  	_ =	shalt  }
0x51: {  	_ =	shalt  }
0x52: {  	_ =	shalt  }
0x53: {  	_ =	shalt  }
0x54: {  	_ =	shalt  }
0x55: {  	_ =	shalt  }
0x56: {  	_ =	shalt  }
0x57: {  	_ =	shalt  }
0x58: {  	_ =	shalt  }
0x59: {  	_ =	shalt  }
0x5a: {  	_ =	shalt  }
0x5b: {  	_ =	shalt  }
0x5c: {  	_ =	shalt  }
0x5d: {  	_ =	shalt  }
0x5e: {  	_ =	shalt  }
0x5f: {  	_ =	shalt  }
0x60: {  	_ =	shalt  }
0x61: {  	_ =	shalt  }
0x62: {  	_ =	shalt  }
0x63: {  	_ =	shalt  }
0x64: {  	_ =	shalt  }
0x65: {  	_ =	shalt  }
0x66: {  	_ =	shalt  }
0x67: {  	_ =	shalt  }
0x68: {  	_ =	shalt  }
0x69: {  	_ =	shalt  }
0x6a: {  	_ =	shalt  }
0x6b: {  	_ =	shalt  }
0x6c: {  	_ =	shalt  }
0x6d: {  	_ =	shalt  }
0x6e: {  	_ =	shalt  }
0x6f: {  	_ =	shalt  }
0x70: {  	_ =	shalt  }
0x71: {  	_ =	shalt  }
0x72: {  	_ =	shalt  }
0x73: {  	_ =	shalt  }
0x74: {  	_ =	shalt  }
0x75: {  	_ =	shalt  }
0x76: {  	_ =	shalt  }
0x77: {  	_ =	shalt  }
0x78: {  	_ =	shalt  }
0x79: {  	_ =	shalt  }
0x7a: {  	_ =	shalt  }
0x7b: {  	_ =	shalt  }
0x7c: {  	_ =	shalt  }
0x7d: {  	_ =	shalt  }
0x7e: {  	_ =	shalt  }
0x7f: {  	_ =	shalt  }
0x80: {  	_ =	shalt  }
0x81: {  	_ =	shalt  }
0x82: {  	_ =	shalt  }
0x83: {  	_ =	shalt  }
0x84: {  	_ =	shalt  }
0x85: {  	_ =	shalt  }
0x86: {  	_ =	shalt  }
0x87: {  	_ =	shalt  }
.Lfunc_end0:
.L_simem_size_0:
called_computation.1_lowered:
.L_overlay_start_0:
0x88: {  	s2 =	sld [smem:$0x3FD9]  }
0x89: {  	s3 =	sld [smem:$0x3FFE];
	_ =	sdelay $0x1  }
0x8a: {  	s1 =	srdreg.scid  }
0x8b: {  	s0 =	sand.u32 $0x1, s1  }
0x8c: {  	s17 =	sshll.u32 s0, $0xA;
	s2 =	sadd.s32 s3, s2  }
0x8d: {  	s2 =	sadd.s32 s2, s17  }
0x8e: {  	[smem:$0x3FBA] =	sst s2  }
0x8f: {  	_ = 	snop  }
0x90: {  	s2 =	sld [smem:$0x3FD0];
	(tm) =	ssettm $0x1  }
0x91: {  	s18 =	sld [smem:$0x3FFB];
	_ =	sdelay $0x3  }
0x92: {  	_ =	strace s18  }
0x93: {  	s3 =	sld [smem:$0x3FFC];
	_ =	sdelay $0x3  }
0x94: {  	_ =	strace s3  }
0x95: {  	s3 =	sld [smem:$0x3FFD];
	_ =	sdelay $0x3  }
0x96: {  	_ =	strace s3  }
0x97: {  	_ =	strace $0x8FFFFFFF  }
0x98: {  	s19 =	sld [smem:$0x3FDB];
	_ =	sdelay $0x1  }
0x99: {  	s4 =	simm.s32 $_scs_section_size  }
0x9a: {  	s5 =	simm.s32 $_size__tile_overlayer_lowered;
	s6 =	simm.s32 $_tile_overlayer_lowered  }
0x9b: {  	s22 =	simm.s32 $0x1BFF;
	s21 =	sshll.u32 s6, $0x1;
	s3 =	sadd.s32 s4, s19  }
0x9c: {  	s7 =	simm.s32 $0x0;
	s20 =	sshll.u32 s5, $0x1;
	s5 =	sadd.s32 s21, s3  }
0x9d: {  	[timem:s7], [sflag:s22] =	dma.local [hbm:s5], s20  }
0x9e: {  	_ =	swait.ge [sflag:s22], s20  }
0x9f: {  	s4 =	ssub.s32 $0x0, s20;
	[sflag:s22] =	ssyncset.done $0x0  }
0xa0: {  	[sflag:s22] =	ssyncadd.s32 s4;
	_ =	sdelay $0x1  }
0xa1: {  	s23 =	simm.s32 $0x1B8B  }
0xa2: {  	_ =	swait.ge [sflag:s23], $0x1  }
0xa3: {  	[sflag:s23] =	ssyncset.done $0x0  }
0xa4: {  	s25 =	simm.s32 $0x1B8E;
	s24 =	sld [smem:$0x3FFE];
	[sflag:s23] =	ssyncadd.s32 $0xFFFFFFFF  }
0xa5: {  	s26 =	simm.s32 $execute0_lowered;
	[smem:$0x3FD2] =	sst s25  }
0xa6: {  	s5 =	sshll.u32 s26, $0x1;
	_ =	strace $0x80000049;
	[dreg:$0x1] =	wrdreg $0xFFFFFFFF  }
0xa7: {  	s28 =	simm.s32 $_size_execute0_lowered;
	s3 =	sadd.s32 s3, s5;
	[dreg:$0x0] =	wrdreg $0x0  }
0xa8: {  	s5 =	sshll.u32 s28, $0x1;
	[dreg:$0x2] =	wrdreg s3  }
0xa9: {  	[dreg:$0x3] =	wrdreg s5  }
0xaa: {  	[dreg:$0x4] =	wrdreg $0xC0  }
0xab: {  	_ =	task [dreg:s7], $0x5FFFF  }
0xac: {  	[dreg:$0x1] =	wrdreg $0xFFFFFFFF  }
0xad: {  	[dreg:$0x0] =	wrdreg $0x60  }
0xae: {  	[dreg:$0x2] =	wrdreg s24  }
0xaf: {  	[dreg:$0x3] =	wrdreg s2  }
0xb0: {  	[dreg:$0x4] =	wrdreg $0x0  }
0xb1: {  	[dreg:$0x5] =	wrdreg $0x9  }
0xb2: {  	_ =	task.clear_ibuf [dreg:s7], $0x6FFFF;
	_ =	strace $0x90000049  }
0xb3: {  	s29 =	simm.s32 $0x9;
	_ =	strace $0x8000004B  }
0xb4: {  	_ =	swait.ge [sflag:s29], $0x1  }
0xb5: {  	[sflag:s29] =	ssyncadd.s32 $0xFFFFFFFF  }
0xb6: {  	_ =	strace $0x9000004B  }
0xb7: {  	_ =	sfence  }
0xb8: {  	s30 =	sld [smem:$0x0];
	_ =	sdelay $0x2  }
0xb9: {  	s31 =	sshll.u32 s1, $0xD;
	s1 =	sshrl.u32 s1, $0x2  }
0xba: {  	s3 =	sand.u32 $0x4000, s31;
	s1 =	sadd.s32 s1, s30  }
0xbb: {  	s0 =	sor.u32 s3, s0;
	s1 =	sshll.u32 s1, $0x11  }
0xbc: {  	s0 =	sor.u32 s1, s0  }
0xbd: {  	s0 =	sadd.s32 $0x8F2B, s0  }
0xbe: {  	[sflag:s0] =	ssyncadd.remote.s32 $0x1  }
0xbf: {  	_ =	sfence.sel $0xFFFF  }
0xc0: {  	[dreg:$0x0] =	wrdreg $0xFFFFFFFF;
	(pc) =	sbr.abs _section_cstart, $3  }
0xc1: {  	[dreg:$0x1] =	wrdreg $0xFFFFFFFF  }
0xc2: {  	_ =	task.clear_ibuf [dreg:s7], $0x2FFFF;
	_ =	strace $0x9FFFFFFF  }
0xc3: {  	(tm) =	ssettm $0x7FFFFFFF  }
tec
execute0_lowered:
.L_overlay_start_1:
0x0: {  	(tag) =	ssettag $0x1  }
0x1: {  	s0 =	rddreg [dreg:$0x0]  }
0x2: {  	s2 =	rddreg [dreg:$0x1]  }
0x3: {  	s1 =	rddreg [dreg:$0x2]  }
0x4: {  	s3 =	simm.s32 $0x0;
	s4 =	srdreg.scid;
	s16 =	stileid.u32  }
0x5: {  	s28 =	simm.s32 $0x1DB80;
	s29 =	simm.s32 $0x1DC00;
	s6 =	smul.u32 $0x4E000, s16  }
0x6: {  	s30 =	simm.s32 $0x1;
	s31 =	simm.s32 $0x50;
	s11 =	smul.u32 $0x270, s16  }
0x7: {  	[smem:$0x7FF] =	sst s3;
	s5 =	sand.u32 $0x1, s4;
	s23 =	smul.u32 $0x4E20, s16  }
0x8: {  	s4 =	sadd.s32 $0xBC00, s0;
	s9 =	sadd.s32 $0x1E00, s0;
	s19 =	smul.u32 $0x9C4, s16  }
0x9: {  	s0 =	sadd.s32 $0x5BC00, s0;
	s22 =	sshll.u32 s16, $0x6;
	s8 =	smul.u32 $0x2800, s5  }
0xa: {  	s24 =	sadd.s32 $0x138000, s1;
	p0 =	sne.s32 s16, $0xF;
	s21 =	smul.u32 $0x140000, s5  }
0xb: {  	_ =	strace $0x8000004A;
	s7 =	ssub.s32 $0x2, s5;
	s5 =	smul.u32 $0x4E200, s5  }
0xc: {  	[dreg:$0x8] =	wrdreg s24;
	s10 =	sshrl.u32 s7, $0x1;
	s6 =	sshrl.u32 s6, $0x2  }
0xd: {  	s25 =	sadd.s32 $0x4D80, s23;
	s13 =	sadd.s32 $0x4DD0, s23;
	s10 =	ssub.s32 s7, s10  }
0xe: {  	s6 =	sadd.s32 s6, s1;
	s20 =	sadd.s32 s11, s8;
	s7 =	sor.u32 $0x1C04, s22  }
0xf: {  	s8 =	sshrl.u32 s21, $0x3;
	s14 =	sadd.s32 s5, s25;
	s15 =	sadd.s32 s5, s13  }
0x10: {  	s13 =	sshrl.u32 s13, $0x3;
	s5 =	sadd.s32 s23, s5;
	s22 =	sadd.s32 s19, s9  }
0x11: {  	[dreg:$0x6] =	wrdreg s6;
	s6 =	sshll.u32 s20, $0x4;
	s8 =	sadd.s32 $0x27000, s8  }
0x12: {  	s14 =	sshrl.u32 s14, $0x3;
	s15 =	sshrl.u32 s15, $0x3;
	s20 =	smax.u32 s10, $0x1  }
0x13: {  	s23 =	sadd.s32 $0xA0, s5;
	[dreg:$0x5] =	wrdreg s22;
	s22 =	simm.s32 $0x1D900  }
0x14: {  	s10 =	simm.s32 $0x0;
	s12 =	sadd.s32 s4, s6;
	[dreg:$0x10] =	wrdreg s20  }
0x15: {  	s17 =	sadd.s32 s4, s8;
	s14 =	sadd.s32 s2, s14;
	[dreg:$0x7] =	wrdreg s12  }
0x16: {  	s26 =	sadd.s32 s2, s15;
	s15 =	sadd.s32 s9, s13;
	[dreg:$0x9] =	wrdreg s17  }
0x17: {  	s6 =	sadd.s32 s0, s6;
	s0 =	sadd.s32 s0, s8;
	[dreg:$0xa] =	wrdreg s14  }
0x18: {  	s24 =	sshrl.u32 s23, $0x3;
	s13 =	simm.s32 $0x4;
	[dreg:$0xb] =	wrdreg s26  }
0x19: {  	s23 =	simm.s32 $0x1D980;
	s8 =	simm.s32 $0x2;
	[dreg:$0xd] =	wrdreg s15  }
0x1a: {  	s12 =	sshrl.u32 s25, $0x3;
	s17 =	sadd.s32 $0xF0, s5;
	[dreg:$0xe] =	wrdreg s6  }
0x1b: {  	[dreg:$0xf] =	wrdreg s0;
	s25 =	sadd.s32 $0x50, s5;
	s5 =	sshrl.u32 s5, $0x3  }
0x1c: {  	s0 =	simm.s32 $0x13880;
	s6 =	simm.s32 $0x1B080;
	s14 =	sadd.s32 s9, s12  }
0x1d: {  	s18 =	sshrl.u32 s17, $0x3;
	s17 =	sadd.s32 s24, s2;
	s26 =	sshrl.u32 s25, $0x3  }
0x1e: {  	s19 =	sadd.s32 s5, s2;
	s24 =	simm.s32 $0x1DA00;
	s25 =	simm.s32 $0x1DA80  }
0x1f: {  	s5 =	simm.s32 $0x18880;
	s9 =	simm.s32 $0x3;
	[dreg:$0xc] =	wrdreg s14  }
0x20: {  	s21 =	sadd.s32 s18, s2;
	s18 =	sadd.s32 s26, s2;
	s26 =	simm.s32 $0x1DB00  }
0x21: {  	s2 =	simm.s32 $0x16080;
	[dreg:$0x4] =	wrdreg s21;
	s21 =	simm.s32 $0x1D880  }
.LBB2_1:
0x22: {  	s11 =	rddreg [dreg:$0x6]  }
0x23: {  	s15 =	rddreg [dreg:$0x7];
	s12 =	sshrl.u32 s11, $0x3  }
0x24: {  	[dreg:$0x11] =	wrdreg s12  }
0x25: {  	[spmem:s12], [sflag:s7] =	dma.local [hbm:s15], $0x2700  }
0x26: {  	_ =	swait.ge [sflag:s13], $0x2700  }
0x27: {  	[sflag:s13] =	ssyncset.done $0x0  }
0x28: {  	s11 =	rddreg [dreg:$0x8];
	[sflag:s13] =	ssyncadd.s32 $0xFFFFD900  }
0x29: {  	s12 =	sshrl.u32 @!p0 s11, $0x3;
	s11 =	rddreg [dreg:$0x9];
	s13 =	simm.s32 @!p0 $0x4  }
0x2a: {  	[spmem:s12], [sflag:s7] =	dma.local @!p0 [hbm:s11], $0x100  }
0x2b: {  	_ =	swait.ge @!p0 [sflag:s13], $0x100  }
0x2c: {  	[sflag:s13] =	ssyncset.done @!p0 $0x0  }
0x2d: {  	[sflag:s13] =	ssyncadd.s32 @!p0 $0xFFFFFF00  }
0x2e: {  	s16 =	sadd.s32 $0x0, s19;
	[bflag:$0x0] =	sbarrier.arrive $0xFFFF  }
0x2f: {  	[tilespmem:s21], [sflag:$0x1] =	stream.linear.gather [hbm4b:s16+s3], $0x50, $0x38;
	[tilespmem:$0x1DC80] =	vst v63  }
0x30: {  	s20 =	sadd.s32 $0x0, s18  }
0x31: {  	[tilespmem:s22], [sflag:$0x1] =	stream.linear.gather [hbm4b:s20+s3], $0x50, $0x38;
	[tilespmem:$0x1DC80] =	vst v63  }
0x32: {  	s14 =	sadd.s32 $0x0, s17;
	s11 =	rddreg [dreg:$0x4]  }
0x33: {  	[tilespmem:s23], [sflag:$0x1] =	stream.linear.gather [hbm4b:s14+s3], $0x50, $0x38;
	[tilespmem:$0x1DC80] =	vst v63  }
0x34: {  	s15 =	rddreg [dreg:$0x5];
	s13 =	sadd.s32 $0x0, s11  }
0x35: {  	[tilespmem:s24], [sflag:$0x1] =	stream.linear.gather [hbm4b:s13+s3], $0x50, $0x38;
	[tilespmem:$0x1DC80] =	vst v63  }
0x36: {  	s16 =	sadd.s32 $0x0, s15  }
0x37: {  	[tilespmem:s25], [sflag:$0x1] =	stream.linear.gather [hbm4b:s16+s3], $0x50, $0x38;
	[tilespmem:$0x1DC80] =	vst v63  }
0x38: {  	s14 =	sadd.s32 $0xA, s16  }
0x39: {  	[tilespmem:s26], [sflag:$0x1] =	stream.linear.gather [hbm4b:s14+s3], $0x50, $0x38;
	[tilespmem:$0x1DC80] =	vst v63  }
0x3a: {  	s20 =	sadd.s32 $0x14, s16  }
0x3b: {  	[tilespmem:s28], [sflag:$0x1] =	stream.linear.gather [hbm4b:s20+s3], $0x50, $0x38;
	[tilespmem:$0x1DC80] =	vst v63  }
0x3c: {  	s13 =	sadd.s32 $0x1E, s16  }
0x3d: {  	[tilespmem:s29], [sflag:$0x1] =	stream.linear.gather [hbm4b:s13+s3], $0x50, $0x38;
	[tilespmem:$0x1DC80] =	vst v63  }
0x3e: {  	_ =	swait.ge [sflag:s30], $0x50  }
0x3f: {  	[sflag:s30] =	ssyncset.done $0x0  }
0x40: {  	[sflag:s30] =	ssyncadd.s32 $0xFFFFFFB0  }
0x41: {  	[tilespmem:s0], [sflag:$0x2] =	stream.indirect.gather [hbm4b:s4+s31], $0x80, s21, s31, $0xb8;
	[tilespmem:$0x1DC80] =	vst v63  }
0x42: {  	_ =	swait.ge [sflag:s30], $0x50  }
0x43: {  	[sflag:s30] =	ssyncset.done $0x0  }
0x44: {  	[sflag:s30] =	ssyncadd.s32 $0xFFFFFFB0  }
0x45: {  	[tilespmem:s2], [sflag:$0x2] =	stream.indirect.gather [hbm4b:s4+s31], $0x80, s22, s31, $0xb8;
	[tilespmem:$0x1DC80] =	vst v63  }
0x46: {  	_ =	swait.ge [sflag:s30], $0x50  }
0x47: {  	[sflag:s30] =	ssyncset.done $0x0  }
0x48: {  	[sflag:s30] =	ssyncadd.s32 $0xFFFFFFB0  }
0x49: {  	[tilespmem:s5], [sflag:$0x2] =	stream.indirect.gather [hbm4b:s4+s31], $0x80, s23, s31, $0xb8;
	[tilespmem:$0x1DC80] =	vst v63  }
0x4a: {  	_ =	swait.ge [sflag:s30], $0x50  }
0x4b: {  	[sflag:s30] =	ssyncset.done $0x0  }
0x4c: {  	[sflag:s30] =	ssyncadd.s32 $0xFFFFFFB0  }
0x4d: {  	[tilespmem:s6], [sflag:$0x2] =	stream.indirect.gather [hbm4b:s4+s31], $0x80, s24, s31, $0xb8;
	[tilespmem:$0x1DC80] =	vst v63  }
0x4e: {  	_ =	swait.ge [sflag:s8], $0x2800  }
0x4f: {  	[sflag:s8] =	ssyncset.done $0x0  }
0x50: {  	[sflag:s8] =	ssyncadd.s32 $0xFFFFD800  }
0x51: {  	_ =	swait.ge [sflag:s30], $0x50  }
0x52: {  	[sflag:s30] =	ssyncset.done $0x0  }
0x53: {  	[sflag:s30] =	ssyncadd.s32 $0xFFFFFFB0  }
0x54: {  	[spmem:s1] =	stream.indirect.scatter.add.f32 [tilespmem:s0], [sflag:$0x3], $0x80, s25, s31, $0xb8;
	[tilespmem:$0x1DC80] =	vst v63  }
0x55: {  	_ =	swait.ge [sflag:s8], $0x2800  }
0x56: {  	[sflag:s8] =	ssyncset.done $0x0  }
0x57: {  	[sflag:s8] =	ssyncadd.s32 $0xFFFFD800  }
0x58: {  	_ =	swait.ge [sflag:s30], $0x50  }
0x59: {  	[sflag:s30] =	ssyncset.done $0x0  }
0x5a: {  	[sflag:s30] =	ssyncadd.s32 $0xFFFFFFB0  }
0x5b: {  	[spmem:s1] =	stream.indirect.scatter.add.f32 [tilespmem:s2], [sflag:$0x3], $0x80, s26, s31, $0xb8;
	[tilespmem:$0x1DC80] =	vst v63  }
0x5c: {  	_ =	swait.ge [sflag:s8], $0x2800  }
0x5d: {  	[sflag:s8] =	ssyncset.done $0x0  }
0x5e: {  	[sflag:s8] =	ssyncadd.s32 $0xFFFFD800  }
0x5f: {  	_ =	swait.ge [sflag:s30], $0x50  }
0x60: {  	[sflag:s30] =	ssyncset.done $0x0  }
0x61: {  	[sflag:s30] =	ssyncadd.s32 $0xFFFFFFB0  }
0x62: {  	[spmem:s1] =	stream.indirect.scatter.add.f32 [tilespmem:s5], [sflag:$0x3], $0x80, s28, s31, $0xb8;
	[tilespmem:$0x1DC80] =	vst v63  }
0x63: {  	_ =	swait.ge [sflag:s8], $0x2800  }
0x64: {  	[sflag:s8] =	ssyncset.done $0x0  }
0x65: {  	[sflag:s8] =	ssyncadd.s32 $0xFFFFD800  }
0x66: {  	_ =	swait.ge [sflag:s30], $0x50  }
0x67: {  	[sflag:s30] =	ssyncset.done $0x0  }
0x68: {  	[sflag:s30] =	ssyncadd.s32 $0xFFFFFFB0  }
0x69: {  	[spmem:s1] =	stream.indirect.scatter.add.f32 [tilespmem:s6], [sflag:$0x3], $0x80, s29, s31, $0xb8;
	[tilespmem:$0x1DC80] =	vst v63  }
0x6a: {  	_ =	swait.ge [sflag:s9], $0x2800  }
0x6b: {  	[sflag:s9] =	ssyncset.done $0x0  }
0x6c: {  	[sflag:s9] =	ssyncadd.s32 $0xFFFFD800  }
0x6d: {  	_ =	swait.ge [sflag:s9], $0x2800  }
0x6e: {  	[sflag:s9] =	ssyncset.done $0x0  }
0x6f: {  	[sflag:s9] =	ssyncadd.s32 $0xFFFFD800  }
0x70: {  	_ =	swait.ge [sflag:s9], $0x2800  }
0x71: {  	[sflag:s9] =	ssyncset.done $0x0  }
0x72: {  	[sflag:s9] =	ssyncadd.s32 $0xFFFFD800  }
0x73: {  	_ =	swait.ge [sflag:s9], $0x2800  }
0x74: {  	s14 =	simm.s32 $0x50;
	s13 =	simm.s32 $0x28;
	[sflag:s9] =	ssyncset.done $0x0  }
.LBB2_2:
0x75: {  	s16 =	sadd.s32 s13, s19;
	[sflag:s9] =	ssyncadd.s32 $0xFFFFD800  }
0x76: {  	[tilespmem:s21], [sflag:$0x1] =	stream.linear.gather [hbm4b:s16+s3], $0x50, $0x38;
	[tilespmem:$0x1DC80] =	vst v63  }
0x77: {  	s20 =	smov.u32 s14;
	s15 =	sadd.s32 $0x28, s14;
	s11 =	sadd.s32 s13, s18  }
0x78: {  	[tilespmem:s22], [sflag:$0x1] =	stream.linear.gather [hbm4b:s11+s3], $0x50, $0x38;
	[tilespmem:$0x1DC80] =	vst v63  }
0x79: {  	p1 =	sne.s32 s14, $0x988;
	s14 =	sadd.s32 s13, s17;
	s16 =	rddreg [dreg:$0x4]  }
0x7a: {  	[tilespmem:s23], [sflag:$0x1] =	stream.linear.gather [hbm4b:s14+s3], $0x50, $0x38;
	[tilespmem:$0x1DC80] =	vst v63  }
0x7b: {  	s16 =	sadd.s32 s13, s16;
	s11 =	rddreg [dreg:$0x5]  }
0x7c: {  	[tilespmem:s24], [sflag:$0x1] =	stream.linear.gather [hbm4b:s16+s3], $0x50, $0x38;
	[tilespmem:$0x1DC80] =	vst v63  }
0x7d: {  	s11 =	sadd.s32 s13, s11  }
0x7e: {  	[tilespmem:s25], [sflag:$0x1] =	stream.linear.gather [hbm4b:s11+s3], $0x50, $0x38;
	[tilespmem:$0x1DC80] =	vst v63  }
0x7f: {  	s16 =	sadd.s32 $0xA, s11  }
0x80: {  	[tilespmem:s26], [sflag:$0x1] =	stream.linear.gather [hbm4b:s16+s3], $0x50, $0x38;
	[tilespmem:$0x1DC80] =	vst v63  }
0x81: {  	s13 =	smov.u32 s20;
	s20 =	sadd.s32 $0x14, s11  }
0x82: {  	[tilespmem:s28], [sflag:$0x1] =	stream.linear.gather [hbm4b:s20+s3], $0x50, $0x38;
	[tilespmem:$0x1DC80] =	vst v63  }
0x83: {  	s11 =	sadd.s32 $0x1E, s11  }
0x84: {  	[tilespmem:s29], [sflag:$0x1] =	stream.linear.gather [hbm4b:s11+s3], $0x50, $0x38;
	[tilespmem:$0x1DC80] =	vst v63  }
0x85: {  	_ =	swait.ge [sflag:s30], $0x50  }
0x86: {  	[sflag:s30] =	ssyncset.done $0x0  }
0x87: {  	[sflag:s30] =	ssyncadd.s32 $0xFFFFFFB0  }
0x88: {  	[tilespmem:s0], [sflag:$0x2] =	stream.indirect.gather [hbm4b:s4+s31], $0x80, s21, s31, $0xb8;
	[tilespmem:$0x1DC80] =	vst v63  }
0x89: {  	_ =	swait.ge [sflag:s30], $0x50  }
0x8a: {  	[sflag:s30] =	ssyncset.done $0x0  }
0x8b: {  	[sflag:s30] =	ssyncadd.s32 $0xFFFFFFB0  }
0x8c: {  	[tilespmem:s2], [sflag:$0x2] =	stream.indirect.gather [hbm4b:s4+s31], $0x80, s22, s31, $0xb8;
	[tilespmem:$0x1DC80] =	vst v63  }
0x8d: {  	_ =	swait.ge [sflag:s30], $0x50  }
0x8e: {  	[sflag:s30] =	ssyncset.done $0x0  }
0x8f: {  	[sflag:s30] =	ssyncadd.s32 $0xFFFFFFB0  }
0x90: {  	[tilespmem:s5], [sflag:$0x2] =	stream.indirect.gather [hbm4b:s4+s31], $0x80, s23, s31, $0xb8;
	[tilespmem:$0x1DC80] =	vst v63  }
0x91: {  	_ =	swait.ge [sflag:s30], $0x50  }
0x92: {  	[sflag:s30] =	ssyncset.done $0x0  }
0x93: {  	[sflag:s30] =	ssyncadd.s32 $0xFFFFFFB0  }
0x94: {  	[tilespmem:s6], [sflag:$0x2] =	stream.indirect.gather [hbm4b:s4+s31], $0x80, s24, s31, $0xb8;
	[tilespmem:$0x1DC80] =	vst v63  }
0x95: {  	_ =	swait.ge [sflag:s8], $0x2800  }
0x96: {  	[sflag:s8] =	ssyncset.done $0x0  }
0x97: {  	[sflag:s8] =	ssyncadd.s32 $0xFFFFD800  }
0x98: {  	_ =	swait.ge [sflag:s30], $0x50  }
0x99: {  	[sflag:s30] =	ssyncset.done $0x0  }
0x9a: {  	[sflag:s30] =	ssyncadd.s32 $0xFFFFFFB0  }
0x9b: {  	[spmem:s1] =	stream.indirect.scatter.add.f32 [tilespmem:s0], [sflag:$0x3], $0x80, s25, s31, $0xb8;
	[tilespmem:$0x1DC80] =	vst v63  }
0x9c: {  	_ =	swait.ge [sflag:s8], $0x2800  }
0x9d: {  	[sflag:s8] =	ssyncset.done $0x0  }
0x9e: {  	[sflag:s8] =	ssyncadd.s32 $0xFFFFD800  }
0x9f: {  	_ =	swait.ge [sflag:s30], $0x50  }
0xa0: {  	[sflag:s30] =	ssyncset.done $0x0  }
0xa1: {  	[sflag:s30] =	ssyncadd.s32 $0xFFFFFFB0  }
0xa2: {  	[spmem:s1] =	stream.indirect.scatter.add.f32 [tilespmem:s2], [sflag:$0x3], $0x80, s26, s31, $0xb8;
	[tilespmem:$0x1DC80] =	vst v63  }
0xa3: {  	_ =	swait.ge [sflag:s8], $0x2800  }
0xa4: {  	[sflag:s8] =	ssyncset.done $0x0  }
0xa5: {  	[sflag:s8] =	ssyncadd.s32 $0xFFFFD800  }
0xa6: {  	_ =	swait.ge [sflag:s30], $0x50  }
0xa7: {  	[sflag:s30] =	ssyncset.done $0x0  }
0xa8: {  	[sflag:s30] =	ssyncadd.s32 $0xFFFFFFB0  }
0xa9: {  	[spmem:s1] =	stream.indirect.scatter.add.f32 [tilespmem:s5], [sflag:$0x3], $0x80, s28, s31, $0xb8;
	[tilespmem:$0x1DC80] =	vst v63  }
0xaa: {  	_ =	swait.ge [sflag:s8], $0x2800  }
0xab: {  	[sflag:s8] =	ssyncset.done $0x0  }
0xac: {  	[sflag:s8] =	ssyncadd.s32 $0xFFFFD800  }
0xad: {  	_ =	swait.ge [sflag:s30], $0x50  }
0xae: {  	[sflag:s30] =	ssyncset.done $0x0  }
0xaf: {  	[sflag:s30] =	ssyncadd.s32 $0xFFFFFFB0  }
0xb0: {  	[spmem:s1] =	stream.indirect.scatter.add.f32 [tilespmem:s6], [sflag:$0x3], $0x80, s29, s31, $0xb8;
	[tilespmem:$0x1DC80] =	vst v63  }
0xb1: {  	_ =	swait.ge [sflag:s9], $0x2800  }
0xb2: {  	[sflag:s9] =	ssyncset.done $0x0  }
0xb3: {  	[sflag:s9] =	ssyncadd.s32 $0xFFFFD800  }
0xb4: {  	_ =	swait.ge [sflag:s9], $0x2800  }
0xb5: {  	[sflag:s9] =	ssyncset.done $0x0  }
0xb6: {  	[sflag:s9] =	ssyncadd.s32 $0xFFFFD800  }
.Ltmp0:
0xb7: {  	_ =	swait.ge [sflag:s9], $0x2800;
	(pc) =	sbr.rel @p1 .LBB2_2-.Ltmp0, $4  }
0xb8: {  	[sflag:s9] =	ssyncset.done $0x0  }
0xb9: {  	[sflag:s9] =	ssyncadd.s32 $0xFFFFD800  }
0xba: {  	_ =	swait.ge [sflag:s9], $0x2800  }
0xbb: {  	s14 =	smov.u32 s15;
	[sflag:s9] =	ssyncset.done $0x0  }
0xbc: {  	s11 =	sadd.s32 s13, s19;
	[sflag:s9] =	ssyncadd.s32 $0xFFFFD800  }
0xbd: {  	[tilespmem:s21], [sflag:$0x1] =	stream.linear.gather [hbm4b:s11+s3], $0x50, $0x38;
	[tilespmem:$0x1DC80] =	vst v63  }
0xbe: {  	s15 =	sadd.s32 s13, s18  }
0xbf: {  	[tilespmem:s22], [sflag:$0x1] =	stream.linear.gather [hbm4b:s15+s3], $0x50, $0x38;
	[tilespmem:$0x1DC80] =	vst v63  }
0xc0: {  	s16 =	rddreg [dreg:$0x4];
	s14 =	sadd.s32 s13, s17  }
0xc1: {  	[tilespmem:s23], [sflag:$0x1] =	stream.linear.gather [hbm4b:s14+s3], $0x50, $0x38;
	[tilespmem:$0x1DC80] =	vst v63  }
0xc2: {  	s20 =	rddreg [dreg:$0x5];
	s11 =	sadd.s32 s13, s16  }
0xc3: {  	[tilespmem:s24], [sflag:$0x1] =	stream.linear.gather [hbm4b:s11+s3], $0x50, $0x38;
	[tilespmem:$0x1DC80] =	vst v63  }
0xc4: {  	s14 =	sadd.s32 s13, s20  }
0xc5: {  	[tilespmem:s25], [sflag:$0x1] =	stream.linear.gather [hbm4b:s14+s3], $0x50, $0x38;
	[tilespmem:$0x1DC80] =	vst v63  }
0xc6: {  	s13 =	sadd.s32 $0xA, s14  }
0xc7: {  	[tilespmem:s26], [sflag:$0x1] =	stream.linear.gather [hbm4b:s13+s3], $0x50, $0x38;
	[tilespmem:$0x1DC80] =	vst v63  }
0xc8: {  	s15 =	sadd.s32 $0x14, s14  }
0xc9: {  	[tilespmem:s28], [sflag:$0x1] =	stream.linear.gather [hbm4b:s15+s3], $0x50, $0x38;
	[tilespmem:$0x1DC80] =	vst v63  }
0xca: {  	s11 =	sadd.s32 $0x1E, s14  }
0xcb: {  	[tilespmem:s29], [sflag:$0x1] =	stream.linear.gather [hbm4b:s11+s3], $0x50, $0x38;
	[tilespmem:$0x1DC80] =	vst v63  }
0xcc: {  	_ =	swait.ge [sflag:s30], $0x50  }
0xcd: {  	[sflag:s30] =	ssyncset.done $0x0  }
0xce: {  	[sflag:s30] =	ssyncadd.s32 $0xFFFFFFB0  }
0xcf: {  	[tilespmem:s0], [sflag:$0x2] =	stream.indirect.gather [hbm4b:s4+s31], $0x80, s21, s31, $0xb8;
	[tilespmem:$0x1DC80] =	vst v63  }
0xd0: {  	_ =	swait.ge [sflag:s30], $0x50  }
0xd1: {  	[sflag:s30] =	ssyncset.done $0x0  }
0xd2: {  	[sflag:s30] =	ssyncadd.s32 $0xFFFFFFB0  }
0xd3: {  	[tilespmem:s2], [sflag:$0x2] =	stream.indirect.gather [hbm4b:s4+s31], $0x80, s22, s31, $0xb8;
	[tilespmem:$0x1DC80] =	vst v63  }
0xd4: {  	_ =	swait.ge [sflag:s30], $0x50  }
0xd5: {  	[sflag:s30] =	ssyncset.done $0x0  }
0xd6: {  	[sflag:s30] =	ssyncadd.s32 $0xFFFFFFB0  }
0xd7: {  	[tilespmem:s5], [sflag:$0x2] =	stream.indirect.gather [hbm4b:s4+s31], $0x80, s23, s31, $0xb8;
	[tilespmem:$0x1DC80] =	vst v63  }
0xd8: {  	_ =	swait.ge [sflag:s30], $0x50  }
0xd9: {  	[sflag:s30] =	ssyncset.done $0x0  }
0xda: {  	[sflag:s30] =	ssyncadd.s32 $0xFFFFFFB0  }
0xdb: {  	[tilespmem:s6], [sflag:$0x2] =	stream.indirect.gather [hbm4b:s4+s31], $0x80, s24, s31, $0xb8;
	[tilespmem:$0x1DC80] =	vst v63  }
0xdc: {  	_ =	swait.ge [sflag:s8], $0x2800  }
0xdd: {  	[sflag:s8] =	ssyncset.done $0x0  }
0xde: {  	[sflag:s8] =	ssyncadd.s32 $0xFFFFD800  }
0xdf: {  	_ =	swait.ge [sflag:s30], $0x50  }
0xe0: {  	[sflag:s30] =	ssyncset.done $0x0  }
0xe1: {  	[sflag:s30] =	ssyncadd.s32 $0xFFFFFFB0  }
0xe2: {  	[spmem:s1] =	stream.indirect.scatter.add.f32 [tilespmem:s0], [sflag:$0x3], $0x80, s25, s31, $0xb8;
	[tilespmem:$0x1DC80] =	vst v63  }
0xe3: {  	_ =	swait.ge [sflag:s8], $0x2800  }
0xe4: {  	[sflag:s8] =	ssyncset.done $0x0  }
0xe5: {  	[sflag:s8] =	ssyncadd.s32 $0xFFFFD800  }
0xe6: {  	_ =	swait.ge [sflag:s30], $0x50  }
0xe7: {  	[sflag:s30] =	ssyncset.done $0x0  }
0xe8: {  	[sflag:s30] =	ssyncadd.s32 $0xFFFFFFB0  }
0xe9: {  	[spmem:s1] =	stream.indirect.scatter.add.f32 [tilespmem:s2], [sflag:$0x3], $0x80, s26, s31, $0xb8;
	[tilespmem:$0x1DC80] =	vst v63  }
0xea: {  	_ =	swait.ge [sflag:s8], $0x2800  }
0xeb: {  	[sflag:s8] =	ssyncset.done $0x0  }
0xec: {  	[sflag:s8] =	ssyncadd.s32 $0xFFFFD800  }
0xed: {  	_ =	swait.ge [sflag:s30], $0x50  }
0xee: {  	[sflag:s30] =	ssyncset.done $0x0  }
0xef: {  	[sflag:s30] =	ssyncadd.s32 $0xFFFFFFB0  }
0xf0: {  	[spmem:s1] =	stream.indirect.scatter.add.f32 [tilespmem:s5], [sflag:$0x3], $0x80, s28, s31, $0xb8;
	[tilespmem:$0x1DC80] =	vst v63  }
0xf1: {  	_ =	swait.ge [sflag:s8], $0x2800  }
0xf2: {  	[sflag:s8] =	ssyncset.done $0x0  }
0xf3: {  	[sflag:s8] =	ssyncadd.s32 $0xFFFFD800  }
0xf4: {  	_ =	swait.ge [sflag:s30], $0x50  }
0xf5: {  	[sflag:s30] =	ssyncset.done $0x0  }
0xf6: {  	[sflag:s30] =	ssyncadd.s32 $0xFFFFFFB0  }
0xf7: {  	[spmem:s1] =	stream.indirect.scatter.add.f32 [tilespmem:s6], [sflag:$0x3], $0x80, s29, s31, $0xb8;
	[tilespmem:$0x1DC80] =	vst v63  }
0xf8: {  	_ =	swait.ge [sflag:s9], $0x2800  }
0xf9: {  	[sflag:s9] =	ssyncset.done $0x0  }
0xfa: {  	[sflag:s9] =	ssyncadd.s32 $0xFFFFD800  }
0xfb: {  	_ =	swait.ge [sflag:s9], $0x2800  }
0xfc: {  	[sflag:s9] =	ssyncset.done $0x0  }
0xfd: {  	[sflag:s9] =	ssyncadd.s32 $0xFFFFD800  }
0xfe: {  	_ =	swait.ge [sflag:s9], $0x2800  }
0xff: {  	[sflag:s9] =	ssyncset.done $0x0  }
0x100: {  	[sflag:s9] =	ssyncadd.s32 $0xFFFFD800  }
0x101: {  	_ =	swait.ge [sflag:s9], $0x2800  }
0x102: {  	[sflag:s9] =	ssyncset.done $0x0  }
0x103: {  	s16 =	rddreg [dreg:$0xa];
	[sflag:s9] =	ssyncadd.s32 $0xFFFFD800  }
0x104: {  	[tilespmem:s21], [sflag:$0x1] =	stream.linear.gather [hbm4b:s16+s3], $0x50, $0x38;
	[tilespmem:$0x1DC80] =	vst v63  }
0x105: {  	s20 =	rddreg [dreg:$0xb]  }
0x106: {  	[tilespmem:s22], [sflag:$0x1] =	stream.linear.gather [hbm4b:s20+s3], $0x50, $0x38;
	[tilespmem:$0x1DC80] =	vst v63  }
0x107: {  	s13 =	rddreg [dreg:$0xc]  }
0x108: {  	[tilespmem:s25], [sflag:$0x1] =	stream.linear.gather [hbm4b:s13+s3], $0x50, $0x38;
	[tilespmem:$0x1DC80] =	vst v63  }
0x109: {  	s14 =	rddreg [dreg:$0xd]  }
0x10a: {  	[tilespmem:s26], [sflag:$0x1] =	stream.linear.gather [hbm4b:s14+s3], $0x50, $0x38;
	[tilespmem:$0x1DC80] =	vst v63  }
0x10b: {  	_ =	swait.ge [sflag:s30], $0x50  }
0x10c: {  	[sflag:s30] =	ssyncset.done $0x0  }
0x10d: {  	[sflag:s30] =	ssyncadd.s32 $0xFFFFFFB0  }
0x10e: {  	[tilespmem:s0], [sflag:$0x2] =	stream.indirect.gather [hbm4b:s4+s31], $0x80, s21, s31, $0xb8;
	[tilespmem:$0x1DC80] =	vst v63  }
0x10f: {  	_ =	swait.ge [sflag:s30], $0x50  }
0x110: {  	[sflag:s30] =	ssyncset.done $0x0  }
0x111: {  	[sflag:s30] =	ssyncadd.s32 $0xFFFFFFB0  }
0x112: {  	[tilespmem:s2], [sflag:$0x2] =	stream.indirect.gather [hbm4b:s4+s31], $0x80, s22, s31, $0xb8;
	[tilespmem:$0x1DC80] =	vst v63  }
0x113: {  	_ =	swait.ge [sflag:s8], $0x2800  }
0x114: {  	[sflag:s8] =	ssyncset.done $0x0  }
0x115: {  	[sflag:s8] =	ssyncadd.s32 $0xFFFFD800  }
0x116: {  	_ =	swait.ge [sflag:s30], $0x50  }
0x117: {  	[sflag:s30] =	ssyncset.done $0x0  }
0x118: {  	[sflag:s30] =	ssyncadd.s32 $0xFFFFFFB0  }
0x119: {  	[spmem:s1] =	stream.indirect.scatter.add.f32 [tilespmem:s0], [sflag:$0x3], $0x80, s25, s31, $0xb8;
	[tilespmem:$0x1DC80] =	vst v63  }
0x11a: {  	_ =	swait.ge [sflag:s8], $0x2800  }
0x11b: {  	[sflag:s8] =	ssyncset.done $0x0  }
0x11c: {  	[sflag:s8] =	ssyncadd.s32 $0xFFFFD800  }
0x11d: {  	_ =	swait.ge [sflag:s30], $0x50  }
0x11e: {  	[sflag:s30] =	ssyncset.done $0x0  }
0x11f: {  	[sflag:s30] =	ssyncadd.s32 $0xFFFFFFB0  }
0x120: {  	[spmem:s1] =	stream.indirect.scatter.add.f32 [tilespmem:s2], [sflag:$0x3], $0x80, s26, s31, $0xb8;
	[tilespmem:$0x1DC80] =	vst v63  }
0x121: {  	_ =	swait.ge [sflag:s9], $0x2800  }
0x122: {  	[sflag:s9] =	ssyncset.done $0x0  }
0x123: {  	[sflag:s9] =	ssyncadd.s32 $0xFFFFD800  }
0x124: {  	_ =	swait.ge [sflag:s9], $0x2800  }
0x125: {  	[sflag:s9] =	ssyncset.done $0x0  }
0x126: {  	[sflag:s9] =	ssyncadd.s32 $0xFFFFD800  }
0x127: {  	[bflag:$0x0] =	sbarrier.arrive $0xFFFF  }
0x128: {  	s15 =	rddreg [dreg:$0xe]  }
0x129: {  	s13 =	simm.s32 $0x4;
	s16 =	rddreg [dreg:$0x11]  }
0x12a: {  	[hbm:s15], [sflag:s7] =	dma.local [spmem:s16], $0x2700  }
0x12b: {  	_ =	swait.ge [sflag:s13], $0x2700  }
0x12c: {  	[sflag:s13] =	ssyncset.done $0x0  }
0x12d: {  	s11 =	rddreg [dreg:$0xf];
	[sflag:s13] =	ssyncadd.s32 $0xFFFFD900  }
0x12e: {  	[hbm:s11], [sflag:s7] =	dma.local @!p0 [spmem:s12], $0x100  }
0x12f: {  	s11 =	simm.s32 @!p0 $0x4  }
0x130: {  	_ =	swait.ge @!p0 [sflag:s11], $0x100  }
0x131: {  	s10 =	sadd.s32 $0x1, s10;
	s20 =	rddreg [dreg:$0x10]  }
0x132: {  	p1 =	sne.s32 s10, s20  }
.Ltmp1:
0x133: {  	_ = 	snop;
	(pc) =	sbr.rel @p1 .LBB2_1-.Ltmp1, $3  }
0x134: {  	_ =	sdelay $0x1  }
0x135: {  	[sflag:s11] =	ssyncset.done @!p0 $0x0  }
0x136: {  	[sflag:s11] =	ssyncadd.s32 @!p0 $0xFFFFFF00  }
0x137: {  	_ =	sfence.sel $0x180000  }
0x138: {  	[bflag:$0x0] =	sbarrier.arrive $0xFFFF  }
0x139: {  	_ =	strace $0x9000004A  }
0x13a: {  	s0 =	stileid.u32;
	[bflag:$0x2] =	sbarrier.arrive $0xFFFF  }
0x13b: {  	p0 =	sne.s32 s0, $0x0;
	s0 =	rddreg [dreg:$0x3]  }
0x13c: {  	s0 =	sadd.s32 @!p0 $0x100000, s0  }
0x13d: {  	[sflag:s0] =	ssyncadd.tile.s32 @!p0 $0x1;
	_ =	shalt  }
.Lfunc_end2:
_tile_overlayer_lowered:
.L_overlay_start_2:
0x13e: {  	(tag) =	ssettag $0x2  }
0x13f: {  	s0 =	rddreg [dreg:$0x0];
	s2 =	stileid.u32  }
0x140: {  	s1 =	rddreg [dreg:$0x1];
	p0 =	sne.s32 s2, $0x0  }
0x141: {  	s3 =	rddreg [dreg:$0x2];
	[bflag:$0x3] =	sbarrier.arrive $0xFFFF;
	s2 =	simm.s32 @!p0 $0x1C04  }
0x142: {  	[timem:s3], [sflag:s2] =	dma.local @!p0 [hbm:s0], s1  }
0x143: {  	s0 =	simm.s32 @!p0 $0x4  }
0x144: {  	_ =	swait.ge @!p0 [sflag:s0], s1  }
0x145: {  	s1 =	ssub.s32 @!p0 $0x0, s1;
	[sflag:s0] =	ssyncset.done @!p0 $0x0  }
0x146: {  	[sflag:s0] =	ssyncadd.s32 @!p0 s1  }
0x147: {  	[bflag:$0x3] =	sbarrier.arrive $0xFFFF  }
0x148: {  	_ =	shalt  }

</sc_bundles>
